<compile_context>
chip_gen: v7x
topology: tpu7x:2x2x1
jax: 0.10.2.dev20260603
libtpu: 0.0.44.dev20260713+nightly
codegen_flags: <defaults>
</compile_context>

<pallas_src>
import functools

import jax
import jax.numpy as jnp
from jax import lax
from jax.experimental import pallas as pl
from jax.experimental.pallas import tpu as pltpu
from jax.experimental.pallas import tpu_sc as plsc

N = 10000
E = 320000
D = 128
G = 64
NC = 2
NS = 16
NW = NC * NS
CHUNK = 128
K = 79
EP = NW * K * CHUNK
NP = 10240
RPT = NP // NS

_MESH = plsc.VectorSubcoreMesh(
    core_axis_name="c", subcore_axis_name="s", num_cores=NC, num_subcores=NS)


def _zero_vmem_rows(ref, nrows, width):
  z16 = jnp.zeros((16,), jnp.float32)
  per_row = width // 16

  def body(i, _):
    r = i // per_row
    c = (i % per_row) * 16
    ref[r, pl.ds(c, 16)] = z16
    return 0

  lax.fori_loop(0, nrows * per_row, body, 0)


def _sc_deg_body(dst_hbm, part_hbm, dst_v, ones_v, zrow_v, cnt_sh):
  cid = lax.axis_index("c")
  sid = lax.axis_index("s")
  wid = sid * NC + cid

  one16 = jnp.ones((16,), jnp.float32)

  def fill_ones(i, _):
    ones_v[i, pl.ds(0, 16)] = one16
    return 0

  lax.fori_loop(0, CHUNK, fill_ones, 0)
  _zero_vmem_rows(zrow_v, 16, 16)

  def zero_cnt(j, _):
    pltpu.sync_copy(zrow_v, cnt_sh.at[pl.ds(sid * RPT + j * 16, 16)])
    return 0

  lax.fori_loop(0, RPT // 16, zero_cnt, 0)
  pltpu.sync_copy(dst_hbm.at[wid], dst_v)
  plsc.subcore_barrier()

  def chunk(j, _):
    pltpu.sync_copy(ones_v, cnt_sh.at[dst_v.at[j]], add=True)
    return 0

  lax.fori_loop(0, K, chunk, 0)
  plsc.subcore_barrier()
  pltpu.sync_copy(cnt_sh.at[pl.ds(sid * RPT, RPT)],
                  part_hbm.at[cid, pl.ds(sid * RPT, RPT)])


_sc_deg = pl.kernel(
    _sc_deg_body,
    out_type=jax.ShapeDtypeStruct((NC, NP, 16), jnp.float32),
    mesh=_MESH,
    scratch_types=[
        pltpu.VMEM((K, CHUNK), jnp.int32),
        pltpu.VMEM((CHUNK, 16), jnp.float32),
        pltpu.VMEM((16, 16), jnp.float32),
        pltpu.VMEM_SHARED((NP, 16), jnp.float32),
    ],
)


def _sc_agg_body(y_hbm, src_hbm, dst_hbm, part_hbm,
                 src_v, dst_v, buf_v, zrow_v, acc_sh, gsem):
  cid = lax.axis_index("c")
  sid = lax.axis_index("s")
  wid = sid * NC + cid

  _zero_vmem_rows(zrow_v, 16, D)

  def zero_acc(j, _):
    pltpu.sync_copy(zrow_v, acc_sh.at[pl.ds(sid * RPT + j * 16, 16)])
    return 0

  lax.fori_loop(0, RPT // 16, zero_acc, 0)
  pltpu.sync_copy(src_hbm.at[wid], src_v)
  pltpu.sync_copy(dst_hbm.at[wid], dst_v)
  plsc.subcore_barrier()

  def chunk(j, _):
    pltpu.async_copy(y_hbm.at[src_v.at[j]], buf_v, gsem).wait()
    pltpu.sync_copy(buf_v, acc_sh.at[dst_v.at[j]], add=True)
    return 0

  lax.fori_loop(0, K, chunk, 0)
  plsc.subcore_barrier()
  pltpu.sync_copy(acc_sh.at[pl.ds(sid * RPT, RPT)],
                  part_hbm.at[cid, pl.ds(sid * RPT, RPT)])


_sc_agg = pl.kernel(
    _sc_agg_body,
    out_type=jax.ShapeDtypeStruct((NC, NP, D), jnp.float32),
    mesh=_MESH,
    scratch_types=[
        pltpu.VMEM((K, CHUNK), jnp.int32),
        pltpu.VMEM((K, CHUNK), jnp.int32),
        pltpu.VMEM((CHUNK, D), jnp.float32),
        pltpu.VMEM((16, D), jnp.float32),
        pltpu.VMEM_SHARED((NP, D), jnp.float32),
        pltpu.SemaphoreType.DMA,
    ],
)


_HI = lax.Precision.HIGHEST


def _tc1_body(x_ref, w1_ref, c0_ref, c1_ref, y_ref, dinv_ref):
  deg = 1.0 + c0_ref[...] + c1_ref[...]
  dinv = lax.rsqrt(deg)
  z = jnp.dot(x_ref[...], w1_ref[...],
              preferred_element_type=jnp.float32, precision=_HI)
  y_ref[...] = dinv * z
  dinv_ref[...] = dinv


def _tc2_body(a0_ref, a1_ref, y1_ref, dinv_ref, w2_ref, b1_ref, y2_ref):
  dinv = dinv_ref[...]
  h = jnp.maximum(
      dinv * (a0_ref[...] + a1_ref[...] + y1_ref[...]) + b1_ref[...], 0.0)
  z2 = jnp.dot(h, w2_ref[...],
               preferred_element_type=jnp.float32, precision=_HI)
  y2_ref[...] = dinv * z2


def _tc3_body(a0_ref, a1_ref, y2_ref, dinv_ref, b2_ref, batch_ref,
              wfc_ref, bfc_ref, out_ref):
  h = jnp.maximum(
      dinv_ref[...] * (a0_ref[...] + a1_ref[...] + y2_ref[...])
      + b2_ref[...], 0.0)
  gids = lax.broadcasted_iota(jnp.int32, (G, 1), 0)
  onehot = (batch_ref[...] == gids).astype(jnp.float32)
  sums = jnp.dot(onehot, h, preferred_element_type=jnp.float32,
                 precision=_HI)
  cnt = jnp.sum(onehot, axis=1)[:, None]
  pooled = sums / jnp.maximum(cnt, 1.0)
  out_ref[...] = jnp.dot(pooled, wfc_ref[...],
                         preferred_element_type=jnp.float32,
                         precision=_HI) + bfc_ref[...]


def _tc_call(body, out_shapes):
  return pl.pallas_call(body, out_shape=out_shapes)


def kernel(x, edge_index, batch, W1, b1, W2, b2, Wfc, bfc):
  src = edge_index[0].astype(jnp.int32)
  dst = edge_index[1].astype(jnp.int32)
  npad = EP - E
  pad_src = (jnp.arange(npad, dtype=jnp.int32) * 131) % N
  pad_dst = N + jnp.arange(npad, dtype=jnp.int32) % (NP - N)
  srcp = jnp.concatenate([src, pad_src]).reshape(NW, K, CHUNK)
  dstp = jnp.concatenate([dst, pad_dst]).reshape(NW, K, CHUNK)

  cnt_part = _sc_deg(dstp)
  c0 = cnt_part[0, :N, :1]
  c1 = cnt_part[1, :N, :1]

  y1, dinv = _tc_call(_tc1_body, (
      jax.ShapeDtypeStruct((N, D), jnp.float32),
      jax.ShapeDtypeStruct((N, 1), jnp.float32),
  ))(x, W1, c0, c1)

  ap1 = _sc_agg(y1, srcp, dstp)

  y2 = _tc_call(_tc2_body, jax.ShapeDtypeStruct((N, D), jnp.float32))(
      ap1[0, :N], ap1[1, :N], y1, dinv, W2, b1.reshape(1, D))

  ap2 = _sc_agg(y2, srcp, dstp)

  out = _tc_call(_tc3_body, jax.ShapeDtypeStruct((G, 1), jnp.float32))(
      ap2[0, :N], ap2[1, :N], y2, dinv, b2.reshape(1, D),
      batch.astype(jnp.int32).reshape(1, N), Wfc, bfc.reshape(1, 1))

  return out[:, 0]

# --- scband reference (transcript-rebuilt; emitter-appended) ---
"""Pipeline reference for scband-josephus-gnn-88888643158304 (READ-ONLY COPY).

The authoritative reference and input builder live on the scoring server;
editing this copy changes nothing except your own understanding.
"""

import jax, jax.numpy as jnp
import numpy as np

N_NODES = 10000
N_EDGES = 320000
D_IN = 128
D_HID = 128
D_OUT = 1
N_GRAPHS = 64


def setup_inputs(seed: int = 0) -> dict:
    key = jax.random.key(seed)
    ks = jax.random.split(key, 10)
    x = jax.random.normal(ks[0], (N_NODES, D_IN), dtype=jnp.float32)
    edge_index = jax.random.randint(ks[1], (2, N_EDGES), 0, N_NODES, dtype=jnp.int64)
    batch = jnp.sort(jax.random.randint(ks[2], (N_NODES,), 0, N_GRAPHS, dtype=jnp.int64))
    s1 = 1.0 / np.sqrt(D_IN)
    s2 = 1.0 / np.sqrt(D_HID)
    W1 = jax.random.uniform(ks[3], (D_IN, D_HID), minval=-s1, maxval=s1, dtype=jnp.float32)
    b1 = jnp.zeros((D_HID,), dtype=jnp.float32)
    W2 = jax.random.uniform(ks[4], (D_HID, D_HID), minval=-s2, maxval=s2, dtype=jnp.float32)
    b2 = jnp.zeros((D_HID,), dtype=jnp.float32)
    Wfc = jax.random.uniform(ks[5], (D_HID, D_OUT), minval=-s2, maxval=s2, dtype=jnp.float32)
    bfc = jnp.zeros((D_OUT,), dtype=jnp.float32)
    return {"x": x, "edge_index": edge_index, "batch": batch,
            "W1": W1, "b1": b1, "W2": W2, "b2": b2, "Wfc": Wfc, "bfc": bfc}


def gcn_conv(x, src, dst, W, b, num_nodes):
    # GCNConv with add_self_loops=True, symmetric normalization
    xw = x @ W
    deg = jnp.zeros((num_nodes,), dtype=x.dtype).at[dst].add(1.0)
    dinv = jnp.where(deg > 0, deg ** -0.5, 0.0)
    norm = dinv[src] * dinv[dst]
    msg = xw[src] * norm[:, None]
    out = jnp.zeros_like(xw).at[dst].add(msg)
    return out + b


def reference(x, edge_index, batch, W1, b1, W2, b2, Wfc, bfc):
    num_nodes = x.shape[0]
    loop = jnp.arange(num_nodes, dtype=edge_index.dtype)
    src = jnp.concatenate([edge_index[0], loop])
    dst = jnp.concatenate([edge_index[1], loop])

    h = jax.nn.relu(gcn_conv(x, src, dst, W1, b1, num_nodes))
    h = jax.nn.relu(gcn_conv(h, src, dst, W2, b2, num_nodes))

    # global_mean_pool
    sums = jax.ops.segment_sum(h, batch, num_segments=N_GRAPHS)
    counts = jax.ops.segment_sum(jnp.ones((num_nodes,), dtype=h.dtype), batch, num_segments=N_GRAPHS)
    pooled = sums / jnp.clip(counts, 1.0, None)[:, None]

    out = pooled @ Wfc + bfc
    return out.squeeze(-1)

if __name__ == "__main__":
    import jax
    _d = setup_inputs()
    print(jax.jit(kernel)(*tuple(_d.values())))

</pallas_src>

<mosaic_0001>
#map = affine_map<(d0, d1) -> (0, 0, 0)>
module attributes {stable_mosaic.version = 14 : i64} {
  func.func @_sc_deg_body(%arg0: i32, %arg1: i32, %arg2: memref<32x79x128xi32, #tpu.memory_space<hbm>>, %arg3: memref<2x10240x16xf32, #tpu.memory_space<hbm>>, %arg4: memref<79x128xi32, #tpu.memory_space<vmem>>, %arg5: memref<128x16xf32, #tpu.memory_space<vmem>>, %arg6: memref<16x16xf32, #tpu.memory_space<vmem>>, %arg7: memref<10240x16xf32, #tpu.memory_space<vmem_shared>>) attributes {dimension_semantics = [#tpu.dimension_semantics<core_parallel>, #tpu.dimension_semantics<subcore_parallel>], iteration_bounds = array<i64: 2, 16>, scalar_prefetch = 0 : i64, scratch_operands = 4 : i64, tpu.core_type = #tpu.core_type<sc_vector_subcore>, window_params = [{transform_indices = #map}, {transform_indices = #map}]} {
    %mul3A = arith.constant 2 : i32
    %mul3A_0 = arith.muli %arg1, %mul3A : i32
    %add3A = arith.addi %mul3A_0, %arg0 : i32
    %broadcast_in_dim3A = arith.constant 1.000000e+00 : f32
    %broadcast_in_dim3A_1 = vector.broadcast %broadcast_in_dim3A : f32 to vector<16xf32>
    %scan3A = arith.constant 0 : i32
    %scan3A_2 = arith.constant 0 : i32
    %scan3A_3 = arith.constant 128 : i32
    %scan3A_4 = arith.addi %scan3A_2, %scan3A_3 : i32
    %scan3A_5 = arith.constant 1 : i32
    %scan3A_6 = scf.for %scan3A_36 = %scan3A_2 to %scan3A_4 step %scan3A_5 iter_args(%scan3A_37 = %scan3A) -> (i32)  : i32 {
      %swap3A = arith.index_cast %scan3A_36 : i32 to index
      %swap3A_38 = arith.constant 0 : index
      %swap3A_39 = tpu.vector_load %arg5[%swap3A, %swap3A_38] {strides = array<i32>} : memref<128x16xf32, #tpu.memory_space<vmem>>, vector<1x16xf32>,
      %swap3A_40 = vector.shape_cast %swap3A_39 : vector<1x16xf32> to vector<16xf32>
      %swap3A_41 = vector.shape_cast %broadcast_in_dim3A_1 : vector<16xf32> to vector<1x16xf32>
      tpu.vector_store %arg5[%swap3A, %swap3A_38], %swap3A_41 {strides = array<i32>} : memref<128x16xf32, #tpu.memory_space<vmem>>, vector<1x16xf32>,
      %scan3A_42 = arith.constant 0 : i32
      scf.yield %scan3A_42 : i32
    }
    %scan3A_7 = arith.constant 128 : i32
    %broadcast_in_dim3A_8 = arith.constant 0.000000e+00 : f32
    %broadcast_in_dim3A_9 = vector.broadcast %broadcast_in_dim3A_8 : f32 to vector<16xf32>
    %scan3A_10 = arith.constant 0 : i32
    %scan3A_11 = arith.constant 0 : i32
    %scan3A_12 = arith.constant 16 : i32
    %scan3A_13 = arith.addi %scan3A_11, %scan3A_12 : i32
    %scan3A_14 = arith.constant 1 : i32
    %scan3A_15 = scf.for %scan3A_36 = %scan3A_11 to %scan3A_13 step %scan3A_14 iter_args(%scan3A_37 = %scan3A_10) -> (i32)  : i32 {
      %jit3A = arith.constant 1 : i32
      %div3A = arith.divsi %scan3A_36, %jit3A : i32
      %sign3A = arith.constant 0 : i32
      %sign3A_38 = arith.cmpi sgt, %scan3A_36, %sign3A : i32
      %sign3A_39 = arith.extui %sign3A_38 : i1 to i32
      %sign3A_40 = arith.constant 0 : i32
      %sign3A_41 = arith.cmpi slt, %scan3A_36, %sign3A_40 : i32
      %sign3A_42 = arith.extui %sign3A_41 : i1 to i32
      %sign3A_43 = arith.subi %sign3A_39, %sign3A_42 : i32
      %sign3A_44 = arith.constant 0 : i32
      %sign3A_45 = arith.cmpi sgt, %jit3A, %sign3A_44 : i32
      %sign3A_46 = arith.extui %sign3A_45 : i1 to i32
      %sign3A_47 = arith.constant 0 : i32
      %sign3A_48 = arith.cmpi slt, %jit3A, %sign3A_47 : i32
      %sign3A_49 = arith.extui %sign3A_48 : i1 to i32
      %sign3A_50 = arith.subi %sign3A_46, %sign3A_49 : i32
      %ne3A = arith.cmpi ne, %sign3A_43, %sign3A_50 : i32
      %rem3A = arith.remsi %scan3A_36, %jit3A : i32
      %ne3A_51 = arith.constant 0 : i32
      %ne3A_52 = arith.cmpi ne, %rem3A, %ne3A_51 : i32
      %and3A = arith.andi %ne3A, %ne3A_52 : i1
      %sub3A = arith.constant 1 : i32
      %sub3A_53 = arith.subi %div3A, %sub3A : i32
      %select_n3A = arith.select %and3A, %sub3A_53, %div3A : i32
      %jit3A_54 = arith.constant 1 : i32
      %eq3A = arith.constant 0 : i32
      %eq3A_55 = arith.cmpi eq, %jit3A_54, %eq3A : i32
      %jit3A_56 = arith.constant 1 : i32
      %select_n3A_57 = arith.select %eq3A_55, %jit3A_56, %jit3A_54 : i32
      %rem3A_58 = arith.remsi %scan3A_36, %select_n3A_57 : i32
      %ne3A_59 = arith.constant 0 : i32
      %ne3A_60 = arith.cmpi ne, %rem3A_58, %ne3A_59 : i32
      %lt3A = arith.constant 0 : i32
      %lt3A_61 = arith.cmpi slt, %rem3A_58, %lt3A : i32
      %lt3A_62 = arith.constant 0 : i32
      %lt3A_63 = arith.cmpi slt, %select_n3A_57, %lt3A_62 : i32
      %ne3A_64 = arith.xori %lt3A_61, %lt3A_63 : i1
      %and3A_65 = arith.andi %ne3A_64, %ne3A_60 : i1
      %add3A_66 = arith.addi %rem3A_58, %select_n3A_57 : i32
      %select_n3A_67 = arith.select %and3A_65, %add3A_66, %rem3A_58 : i32
      %mul3A_68 = arith.constant 16 : i32
      %mul3A_69 = arith.muli %select_n3A_67, %mul3A_68 : i32
      %swap3A = arith.index_cast %select_n3A : i32 to index
      %swap3A_70 = arith.index_cast %mul3A_69 : i32 to index
      %swap3A_71 = tpu.vector_load %arg6[%swap3A, %swap3A_70] {strides = array<i32>} : memref<16x16xf32, #tpu.memory_space<vmem>>, vector<1x16xf32>,
      %swap3A_72 = vector.shape_cast %swap3A_71 : vector<1x16xf32> to vector<16xf32>
      %swap3A_73 = vector.shape_cast %broadcast_in_dim3A_9 : vector<16xf32> to vector<1x16xf32>
      tpu.vector_store %arg6[%swap3A, %swap3A_70], %swap3A_73 {strides = array<i32>} : memref<16x16xf32, #tpu.memory_space<vmem>>, vector<1x16xf32>,
      %scan3A_74 = arith.constant 0 : i32
      scf.yield %scan3A_74 : i32
    }
    %scan3A_16 = arith.constant 16 : i32
    %scan3A_17 = arith.constant 0 : i32
    %scan3A_18 = arith.constant 0 : i32
    %scan3A_19 = arith.constant 40 : i32
    %scan3A_20 = arith.addi %scan3A_18, %scan3A_19 : i32
    %scan3A_21 = arith.constant 1 : i32
    %scan3A_22 = scf.for %scan3A_36 = %scan3A_18 to %scan3A_20 step %scan3A_21 iter_args(%scan3A_37 = %scan3A_17) -> (i32)  : i32 {
      %mul3A_38 = arith.constant 640 : i32
      %mul3A_39 = arith.muli %arg1, %mul3A_38 : i32
      %mul3A_40 = arith.constant 16 : i32
      %mul3A_41 = arith.muli %scan3A_36, %mul3A_40 : i32
      %add3A_42 = arith.addi %mul3A_39, %mul3A_41 : i32
      "tpu.region"() ({
        %run_scoped3A = tpu.sem_alloc : memref<!tpu.dma_semaphore, #tpu.memory_space<semaphore_mem>>
        %dma_start3A = arith.constant 0 : i32
        %dma_start3A_44 = tpu.memref_slice %arg7[%add3A_42, %dma_start3A] : memref<10240x16xf32, #tpu.memory_space<vmem_shared>> -> memref<16x16xf32, #tpu.memory_space<vmem_shared>>
        %dma_start3A_45 = arith.constant 0 : i32
        %dma_start3A_46 = tpu.memref_slice %arg7[%add3A_42, %dma_start3A_45] : memref<10240x16xf32, #tpu.memory_space<vmem_shared>> -> memref<16x16xf32, #tpu.memory_space<vmem_shared>>
        tpu.enqueue_dma source(%arg6 : memref<16x16xf32, #tpu.memory_space<vmem>>) target(%dma_start3A_46 : memref<16x16xf32, #tpu.memory_space<vmem_shared>>) target_semaphore(%run_scoped3A : memref<!tpu.dma_semaphore, #tpu.memory_space<semaphore_mem>>)
        %dma_wait3A = arith.constant 0 : i32
        %dma_wait3A_47 = tpu.memref_slice %arg7[%add3A_42, %dma_wait3A] : memref<10240x16xf32, #tpu.memory_space<vmem_shared>> -> memref<16x16xf32, #tpu.memory_space<vmem_shared>>
        %dma_wait3A_48 = arith.constant 0 : i32
        %dma_wait3A_49 = tpu.memref_slice %arg7[%add3A_42, %dma_wait3A_48] : memref<10240x16xf32, #tpu.memory_space<vmem_shared>> -> memref<16x16xf32, #tpu.memory_space<vmem_shared>>
        tpu.wait_dma2 semaphore(%run_scoped3A : memref<!tpu.dma_semaphore, #tpu.memory_space<semaphore_mem>>) src(%arg6 : memref<16x16xf32, #tpu.memory_space<vmem>>) dst(%dma_wait3A_49 : memref<16x16xf32, #tpu.memory_space<vmem_shared>>)
        tpu.yield
      }) : () -> ()
      %scan3A_43 = arith.constant 0 : i32
      scf.yield %scan3A_43 : i32
    }
    %scan3A_23 = arith.constant 40 : i32
    "tpu.region"() ({
      %run_scoped3A = tpu.sem_alloc : memref<!tpu.dma_semaphore, #tpu.memory_space<semaphore_mem>>
      %dma_start3A = arith.constant 0 : i32
      %dma_start3A_36 = arith.constant 0 : i32
      %dma_start3A_37 = tpu.memref_slice %arg2[%add3A, %dma_start3A, %dma_start3A_36] : memref<32x79x128xi32, #tpu.memory_space<hbm>> -> memref<1x79x128xi32, #tpu.memory_space<hbm>>
      %dma_start3A_38 = tpu.memref_squeeze %dma_start3A_37 : memref<1x79x128xi32, #tpu.memory_space<hbm>> -> memref<79x128xi32, #tpu.memory_space<hbm>>
      %dma_start3A_39 = arith.constant 0 : i32
      %dma_start3A_40 = arith.constant 0 : i32
      %dma_start3A_41 = tpu.memref_slice %arg2[%add3A, %dma_start3A_39, %dma_start3A_40] : memref<32x79x128xi32, #tpu.memory_space<hbm>> -> memref<1x79x128xi32, #tpu.memory_space<hbm>>
      %dma_start3A_42 = tpu.memref_squeeze %dma_start3A_41 : memref<1x79x128xi32, #tpu.memory_space<hbm>> -> memref<79x128xi32, #tpu.memory_space<hbm>>
      tpu.enqueue_dma source(%dma_start3A_42 : memref<79x128xi32, #tpu.memory_space<hbm>>) target(%arg4 : memref<79x128xi32, #tpu.memory_space<vmem>>) target_semaphore(%run_scoped3A : memref<!tpu.dma_semaphore, #tpu.memory_space<semaphore_mem>>)
      %dma_wait3A = arith.constant 0 : i32
      %dma_wait3A_43 = arith.constant 0 : i32
      %dma_wait3A_44 = tpu.memref_slice %arg2[%add3A, %dma_wait3A, %dma_wait3A_43] : memref<32x79x128xi32, #tpu.memory_space<hbm>> -> memref<1x79x128xi32, #tpu.memory_space<hbm>>
      %dma_wait3A_45 = tpu.memref_squeeze %dma_wait3A_44 : memref<1x79x128xi32, #tpu.memory_space<hbm>> -> memref<79x128xi32, #tpu.memory_space<hbm>>
      %dma_wait3A_46 = arith.constant 0 : i32
      %dma_wait3A_47 = arith.constant 0 : i32
      %dma_wait3A_48 = tpu.memref_slice %arg2[%add3A, %dma_wait3A_46, %dma_wait3A_47] : memref<32x79x128xi32, #tpu.memory_space<hbm>> -> memref<1x79x128xi32, #tpu.memory_space<hbm>>
      %dma_wait3A_49 = tpu.memref_squeeze %dma_wait3A_48 : memref<1x79x128xi32, #tpu.memory_space<hbm>> -> memref<79x128xi32, #tpu.memory_space<hbm>>
      tpu.wait_dma2 semaphore(%run_scoped3A : memref<!tpu.dma_semaphore, #tpu.memory_space<semaphore_mem>>) src(%dma_wait3A_49 : memref<79x128xi32, #tpu.memory_space<hbm>>) dst(%arg4 : memref<79x128xi32, #tpu.memory_space<vmem>>)
      tpu.yield
    }) : () -> ()
    %barrier3A = arith.constant 0 : index
    tpu.barrier barrier_id(%barrier3A)
    %scan3A_24 = arith.constant 0 : i32
    %scan3A_25 = arith.constant 0 : i32
    %scan3A_26 = arith.constant 79 : i32
    %scan3A_27 = arith.addi %scan3A_25, %scan3A_26 : i32
    %scan3A_28 = arith.constant 1 : i32
    %scan3A_29 = scf.for %scan3A_36 = %scan3A_25 to %scan3A_27 step %scan3A_28 iter_args(%scan3A_37 = %scan3A_24) -> (i32)  : i32 {
      "tpu.region"() ({
        %run_scoped3A = tpu.sem_alloc : memref<!tpu.dma_semaphore, #tpu.memory_space<semaphore_mem>>
        %dma_start3A = arith.constant 0 : i32
        %dma_start3A_39 = tpu.memref_slice %arg4[%scan3A_36, %dma_start3A] : memref<79x128xi32, #tpu.memory_space<vmem>> -> memref<1x128xi32, #tpu.memory_space<vmem>>
        %dma_start3A_40 = tpu.memref_squeeze %dma_start3A_39 : memref<1x128xi32, #tpu.memory_space<vmem>> -> memref<128xi32, #tpu.memory_space<vmem>>
        %dma_start3A_41 = arith.constant 0 : i32
        %dma_start3A_42 = arith.constant 0 : i32
        %dma_start3A_43 = tpu.memref_slice %arg7[%dma_start3A_41, %dma_start3A_42] : memref<10240x16xf32, #tpu.memory_space<vmem_shared>> -> memref<10240x16xf32, #tpu.memory_space<vmem_shared>>
        tpu.enqueue_indirect_dma source(%arg5 : memref<128x16xf32, #tpu.memory_space<vmem>>) target(%dma_start3A_43 : memref<10240x16xf32, #tpu.memory_space<vmem_shared>>) offsets(%dma_start3A_40 : memref<128xi32, #tpu.memory_space<vmem>>) semaphore(%run_scoped3A : memref<!tpu.dma_semaphore, #tpu.memory_space<semaphore_mem>>) {add = true}
        %dma_wait3A = arith.constant 0 : i32
        %dma_wait3A_44 = tpu.memref_slice %arg4[%scan3A_36, %dma_wait3A] : memref<79x128xi32, #tpu.memory_space<vmem>> -> memref<1x128xi32, #tpu.memory_space<vmem>>
        %dma_wait3A_45 = tpu.memref_squeeze %dma_wait3A_44 : memref<1x128xi32, #tpu.memory_space<vmem>> -> memref<128xi32, #tpu.memory_space<vmem>>
        %dma_wait3A_46 = arith.constant 0 : i32
        %dma_wait3A_47 = arith.constant 0 : i32
        %dma_wait3A_48 = tpu.memref_slice %arg7[%dma_wait3A_46, %dma_wait3A_47] : memref<10240x16xf32, #tpu.memory_space<vmem_shared>> -> memref<10240x16xf32, #tpu.memory_space<vmem_shared>>
        tpu.wait_indirect_dma semaphore(%run_scoped3A : memref<!tpu.dma_semaphore, #tpu.memory_space<semaphore_mem>>) src(%arg5 : memref<128x16xf32, #tpu.memory_space<vmem>>) dst(%dma_wait3A_48 : memref<10240x16xf32, #tpu.memory_space<vmem_shared>>)
        tpu.yield
      }) : () -> ()
      %scan3A_38 = arith.constant 0 : i32
      scf.yield %scan3A_38 : i32
    }
    %scan3A_30 = arith.constant 79 : i32
    %barrier3A_31 = arith.constant 0 : index
    tpu.barrier barrier_id(%barrier3A_31)
    %mul3A_32 = arith.constant 640 : i32
    %mul3A_33 = arith.muli %arg1, %mul3A_32 : i32
    %mul3A_34 = arith.constant 640 : i32
    %mul3A_35 = arith.muli %arg1, %mul3A_34 : i32
    "tpu.region"() ({
      %run_scoped3A = tpu.sem_alloc : memref<!tpu.dma_semaphore, #tpu.memory_space<semaphore_mem>>
      %dma_start3A = arith.constant 0 : i32
      %dma_start3A_36 = tpu.memref_slice %arg3[%arg0, %mul3A_35, %dma_start3A] : memref<2x10240x16xf32, #tpu.memory_space<hbm>> -> memref<1x640x16xf32, #tpu.memory_space<hbm>>
      %dma_start3A_37 = tpu.memref_squeeze %dma_start3A_36 : memref<1x640x16xf32, #tpu.memory_space<hbm>> -> memref<640x16xf32, #tpu.memory_space<hbm>>
      %dma_start3A_38 = arith.constant 0 : i32
      %dma_start3A_39 = tpu.memref_slice %arg7[%mul3A_33, %dma_start3A_38] : memref<10240x16xf32, #tpu.memory_space<vmem_shared>> -> memref<640x16xf32, #tpu.memory_space<vmem_shared>>
      tpu.enqueue_dma source(%dma_start3A_39 : memref<640x16xf32, #tpu.memory_space<vmem_shared>>) target(%dma_start3A_37 : memref<640x16xf32, #tpu.memory_space<hbm>>) target_semaphore(%run_scoped3A : memref<!tpu.dma_semaphore, #tpu.memory_space<semaphore_mem>>)
      %dma_wait3A = arith.constant 0 : i32
      %dma_wait3A_40 = tpu.memref_slice %arg3[%arg0, %mul3A_35, %dma_wait3A] : memref<2x10240x16xf32, #tpu.memory_space<hbm>> -> memref<1x640x16xf32, #tpu.memory_space<hbm>>
      %dma_wait3A_41 = tpu.memref_squeeze %dma_wait3A_40 : memref<1x640x16xf32, #tpu.memory_space<hbm>> -> memref<640x16xf32, #tpu.memory_space<hbm>>
      %dma_wait3A_42 = arith.constant 0 : i32
      %dma_wait3A_43 = tpu.memref_slice %arg7[%mul3A_33, %dma_wait3A_42] : memref<10240x16xf32, #tpu.memory_space<vmem_shared>> -> memref<640x16xf32, #tpu.memory_space<vmem_shared>>
      tpu.wait_dma2 semaphore(%run_scoped3A : memref<!tpu.dma_semaphore, #tpu.memory_space<semaphore_mem>>) src(%dma_wait3A_43 : memref<640x16xf32, #tpu.memory_space<vmem_shared>>) dst(%dma_wait3A_41 : memref<640x16xf32, #tpu.memory_space<hbm>>)
      tpu.yield
    }) : () -> ()
    return
  }
}

#map = affine_map<(d0, d1) -> (0, 0)>
#map1 = affine_map<(d0, d1) -> (0, 0, 0)>
module attributes {stable_mosaic.version = 14 : i64} {
  func.func @_sc_agg_body(%arg0: i32, %arg1: i32, %arg2: memref<10000x128xf32, #tpu.memory_space<hbm>>, %arg3: memref<32x79x128xi32, #tpu.memory_space<hbm>>, %arg4: memref<32x79x128xi32, #tpu.memory_space<hbm>>, %arg5: memref<2x10240x128xf32, #tpu.memory_space<hbm>>, %arg6: memref<79x128xi32, #tpu.memory_space<vmem>>, %arg7: memref<79x128xi32, #tpu.memory_space<vmem>>, %arg8: memref<128x128xf32, #tpu.memory_space<vmem>>, %arg9: memref<16x128xf32, #tpu.memory_space<vmem>>, %arg10: memref<10240x128xf32, #tpu.memory_space<vmem_shared>>, %arg11: memref<!tpu.dma_semaphore, #tpu.memory_space<semaphore_mem>>) attributes {dimension_semantics = [#tpu.dimension_semantics<core_parallel>, #tpu.dimension_semantics<subcore_parallel>], iteration_bounds = array<i64: 2, 16>, scalar_prefetch = 0 : i64, scratch_operands = 6 : i64, tpu.core_type = #tpu.core_type<sc_vector_subcore>, window_params = [{transform_indices = #map}, {transform_indices = #map1}, {transform_indices = #map1}, {transform_indices = #map1}]} {
    %mul3A = arith.constant 2 : i32
    %mul3A_0 = arith.muli %arg1, %mul3A : i32
    %add3A = arith.addi %mul3A_0, %arg0 : i32
    %broadcast_in_dim3A = arith.constant 0.000000e+00 : f32
    %broadcast_in_dim3A_1 = vector.broadcast %broadcast_in_dim3A : f32 to vector<16xf32>
    %scan3A = arith.constant 0 : i32
    %scan3A_2 = arith.constant 0 : i32
    %scan3A_3 = arith.constant 128 : i32
    %scan3A_4 = arith.addi %scan3A_2, %scan3A_3 : i32
    %scan3A_5 = arith.constant 1 : i32
    %scan3A_6 = scf.for %scan3A_27 = %scan3A_2 to %scan3A_4 step %scan3A_5 iter_args(%scan3A_28 = %scan3A) -> (i32)  : i32 {
      %jit3A = arith.constant 8 : i32
      %div3A = arith.divsi %scan3A_27, %jit3A : i32
      %sign3A = arith.constant 0 : i32
      %sign3A_29 = arith.cmpi sgt, %scan3A_27, %sign3A : i32
      %sign3A_30 = arith.extui %sign3A_29 : i1 to i32
      %sign3A_31 = arith.constant 0 : i32
      %sign3A_32 = arith.cmpi slt, %scan3A_27, %sign3A_31 : i32
      %sign3A_33 = arith.extui %sign3A_32 : i1 to i32
      %sign3A_34 = arith.subi %sign3A_30, %sign3A_33 : i32
      %sign3A_35 = arith.constant 0 : i32
      %sign3A_36 = arith.cmpi sgt, %jit3A, %sign3A_35 : i32
      %sign3A_37 = arith.extui %sign3A_36 : i1 to i32
      %sign3A_38 = arith.constant 0 : i32
      %sign3A_39 = arith.cmpi slt, %jit3A, %sign3A_38 : i32
      %sign3A_40 = arith.extui %sign3A_39 : i1 to i32
      %sign3A_41 = arith.subi %sign3A_37, %sign3A_40 : i32
      %ne3A = arith.cmpi ne, %sign3A_34, %sign3A_41 : i32
      %rem3A = arith.remsi %scan3A_27, %jit3A : i32
      %ne3A_42 = arith.constant 0 : i32
      %ne3A_43 = arith.cmpi ne, %rem3A, %ne3A_42 : i32
      %and3A = arith.andi %ne3A, %ne3A_43 : i1
      %sub3A = arith.constant 1 : i32
      %sub3A_44 = arith.subi %div3A, %sub3A : i32
      %select_n3A = arith.select %and3A, %sub3A_44, %div3A : i32
      %jit3A_45 = arith.constant 8 : i32
      %eq3A = arith.constant 0 : i32
      %eq3A_46 = arith.cmpi eq, %jit3A_45, %eq3A : i32
      %jit3A_47 = arith.constant 1 : i32
      %select_n3A_48 = arith.select %eq3A_46, %jit3A_47, %jit3A_45 : i32
      %rem3A_49 = arith.remsi %scan3A_27, %select_n3A_48 : i32
      %ne3A_50 = arith.constant 0 : i32
      %ne3A_51 = arith.cmpi ne, %rem3A_49, %ne3A_50 : i32
      %lt3A = arith.constant 0 : i32
      %lt3A_52 = arith.cmpi slt, %rem3A_49, %lt3A : i32
      %lt3A_53 = arith.constant 0 : i32
      %lt3A_54 = arith.cmpi slt, %select_n3A_48, %lt3A_53 : i32
      %ne3A_55 = arith.xori %lt3A_52, %lt3A_54 : i1
      %and3A_56 = arith.andi %ne3A_55, %ne3A_51 : i1
      %add3A_57 = arith.addi %rem3A_49, %select_n3A_48 : i32
      %select_n3A_58 = arith.select %and3A_56, %add3A_57, %rem3A_49 : i32
      %mul3A_59 = arith.constant 16 : i32
      %mul3A_60 = arith.muli %select_n3A_58, %mul3A_59 : i32
      %swap3A = arith.index_cast %select_n3A : i32 to index
      %swap3A_61 = arith.index_cast %mul3A_60 : i32 to index
      %swap3A_62 = tpu.vector_load %arg9[%swap3A, %swap3A_61] {strides = array<i32>} : memref<16x128xf32, #tpu.memory_space<vmem>>, vector<1x16xf32>,
      %swap3A_63 = vector.shape_cast %swap3A_62 : vector<1x16xf32> to vector<16xf32>
      %swap3A_64 = vector.shape_cast %broadcast_in_dim3A_1 : vector<16xf32> to vector<1x16xf32>
      tpu.vector_store %arg9[%swap3A, %swap3A_61], %swap3A_64 {strides = array<i32>} : memref<16x128xf32, #tpu.memory_space<vmem>>, vector<1x16xf32>,
      %scan3A_65 = arith.constant 0 : i32
      scf.yield %scan3A_65 : i32
    }
    %scan3A_7 = arith.constant 128 : i32
    %scan3A_8 = arith.constant 0 : i32
    %scan3A_9 = arith.constant 0 : i32
    %scan3A_10 = arith.constant 40 : i32
    %scan3A_11 = arith.addi %scan3A_9, %scan3A_10 : i32
    %scan3A_12 = arith.constant 1 : i32
    %scan3A_13 = scf.for %scan3A_27 = %scan3A_9 to %scan3A_11 step %scan3A_12 iter_args(%scan3A_28 = %scan3A_8) -> (i32)  : i32 {
      %mul3A_29 = arith.constant 640 : i32
      %mul3A_30 = arith.muli %arg1, %mul3A_29 : i32
      %mul3A_31 = arith.constant 16 : i32
      %mul3A_32 = arith.muli %scan3A_27, %mul3A_31 : i32
      %add3A_33 = arith.addi %mul3A_30, %mul3A_32 : i32
      "tpu.region"() ({
        %run_scoped3A = tpu.sem_alloc : memref<!tpu.dma_semaphore, #tpu.memory_space<semaphore_mem>>
        %dma_start3A = arith.constant 0 : i32
        %dma_start3A_35 = tpu.memref_slice %arg10[%add3A_33, %dma_start3A] : memref<10240x128xf32, #tpu.memory_space<vmem_shared>> -> memref<16x128xf32, #tpu.memory_space<vmem_shared>>
        %dma_start3A_36 = arith.constant 0 : i32
        %dma_start3A_37 = tpu.memref_slice %arg10[%add3A_33, %dma_start3A_36] : memref<10240x128xf32, #tpu.memory_space<vmem_shared>> -> memref<16x128xf32, #tpu.memory_space<vmem_shared>>
        tpu.enqueue_dma source(%arg9 : memref<16x128xf32, #tpu.memory_space<vmem>>) target(%dma_start3A_37 : memref<16x128xf32, #tpu.memory_space<vmem_shared>>) target_semaphore(%run_scoped3A : memref<!tpu.dma_semaphore, #tpu.memory_space<semaphore_mem>>)
        %dma_wait3A = arith.constant 0 : i32
        %dma_wait3A_38 = tpu.memref_slice %arg10[%add3A_33, %dma_wait3A] : memref<10240x128xf32, #tpu.memory_space<vmem_shared>> -> memref<16x128xf32, #tpu.memory_space<vmem_shared>>
        %dma_wait3A_39 = arith.constant 0 : i32
        %dma_wait3A_40 = tpu.memref_slice %arg10[%add3A_33, %dma_wait3A_39] : memref<10240x128xf32, #tpu.memory_space<vmem_shared>> -> memref<16x128xf32, #tpu.memory_space<vmem_shared>>
        tpu.wait_dma2 semaphore(%run_scoped3A : memref<!tpu.dma_semaphore, #tpu.memory_space<semaphore_mem>>) src(%arg9 : memref<16x128xf32, #tpu.memory_space<vmem>>) dst(%dma_wait3A_40 : memref<16x128xf32, #tpu.memory_space<vmem_shared>>)
        tpu.yield
      }) : () -> ()
      %scan3A_34 = arith.constant 0 : i32
      scf.yield %scan3A_34 : i32
    }
    %scan3A_14 = arith.constant 40 : i32
    "tpu.region"() ({
      %run_scoped3A = tpu.sem_alloc : memref<!tpu.dma_semaphore, #tpu.memory_space<semaphore_mem>>
      %dma_start3A = arith.constant 0 : i32
      %dma_start3A_27 = arith.constant 0 : i32
      %dma_start3A_28 = tpu.memref_slice %arg3[%add3A, %dma_start3A, %dma_start3A_27] : memref<32x79x128xi32, #tpu.memory_space<hbm>> -> memref<1x79x128xi32, #tpu.memory_space<hbm>>
      %dma_start3A_29 = tpu.memref_squeeze %dma_start3A_28 : memref<1x79x128xi32, #tpu.memory_space<hbm>> -> memref<79x128xi32, #tpu.memory_space<hbm>>
      %dma_start3A_30 = arith.constant 0 : i32
      %dma_start3A_31 = arith.constant 0 : i32
      %dma_start3A_32 = tpu.memref_slice %arg3[%add3A, %dma_start3A_30, %dma_start3A_31] : memref<32x79x128xi32, #tpu.memory_space<hbm>> -> memref<1x79x128xi32, #tpu.memory_space<hbm>>
      %dma_start3A_33 = tpu.memref_squeeze %dma_start3A_32 : memref<1x79x128xi32, #tpu.memory_space<hbm>> -> memref<79x128xi32, #tpu.memory_space<hbm>>
      tpu.enqueue_dma source(%dma_start3A_33 : memref<79x128xi32, #tpu.memory_space<hbm>>) target(%arg6 : memref<79x128xi32, #tpu.memory_space<vmem>>) target_semaphore(%run_scoped3A : memref<!tpu.dma_semaphore, #tpu.memory_space<semaphore_mem>>)
      %dma_wait3A = arith.constant 0 : i32
      %dma_wait3A_34 = arith.constant 0 : i32
      %dma_wait3A_35 = tpu.memref_slice %arg3[%add3A, %dma_wait3A, %dma_wait3A_34] : memref<32x79x128xi32, #tpu.memory_space<hbm>> -> memref<1x79x128xi32, #tpu.memory_space<hbm>>
      %dma_wait3A_36 = tpu.memref_squeeze %dma_wait3A_35 : memref<1x79x128xi32, #tpu.memory_space<hbm>> -> memref<79x128xi32, #tpu.memory_space<hbm>>
      %dma_wait3A_37 = arith.constant 0 : i32
      %dma_wait3A_38 = arith.constant 0 : i32
      %dma_wait3A_39 = tpu.memref_slice %arg3[%add3A, %dma_wait3A_37, %dma_wait3A_38] : memref<32x79x128xi32, #tpu.memory_space<hbm>> -> memref<1x79x128xi32, #tpu.memory_space<hbm>>
      %dma_wait3A_40 = tpu.memref_squeeze %dma_wait3A_39 : memref<1x79x128xi32, #tpu.memory_space<hbm>> -> memref<79x128xi32, #tpu.memory_space<hbm>>
      tpu.wait_dma2 semaphore(%run_scoped3A : memref<!tpu.dma_semaphore, #tpu.memory_space<semaphore_mem>>) src(%dma_wait3A_40 : memref<79x128xi32, #tpu.memory_space<hbm>>) dst(%arg6 : memref<79x128xi32, #tpu.memory_space<vmem>>)
      tpu.yield
    }) : () -> ()
    "tpu.region"() ({
      %run_scoped3A = tpu.sem_alloc : memref<!tpu.dma_semaphore, #tpu.memory_space<semaphore_mem>>
      %dma_start3A = arith.constant 0 : i32
      %dma_start3A_27 = arith.constant 0 : i32
      %dma_start3A_28 = tpu.memref_slice %arg4[%add3A, %dma_start3A, %dma_start3A_27] : memref<32x79x128xi32, #tpu.memory_space<hbm>> -> memref<1x79x128xi32, #tpu.memory_space<hbm>>
      %dma_start3A_29 = tpu.memref_squeeze %dma_start3A_28 : memref<1x79x128xi32, #tpu.memory_space<hbm>> -> memref<79x128xi32, #tpu.memory_space<hbm>>
      %dma_start3A_30 = arith.constant 0 : i32
      %dma_start3A_31 = arith.constant 0 : i32
      %dma_start3A_32 = tpu.memref_slice %arg4[%add3A, %dma_start3A_30, %dma_start3A_31] : memref<32x79x128xi32, #tpu.memory_space<hbm>> -> memref<1x79x128xi32, #tpu.memory_space<hbm>>
      %dma_start3A_33 = tpu.memref_squeeze %dma_start3A_32 : memref<1x79x128xi32, #tpu.memory_space<hbm>> -> memref<79x128xi32, #tpu.memory_space<hbm>>
      tpu.enqueue_dma source(%dma_start3A_33 : memref<79x128xi32, #tpu.memory_space<hbm>>) target(%arg7 : memref<79x128xi32, #tpu.memory_space<vmem>>) target_semaphore(%run_scoped3A : memref<!tpu.dma_semaphore, #tpu.memory_space<semaphore_mem>>)
      %dma_wait3A = arith.constant 0 : i32
      %dma_wait3A_34 = arith.constant 0 : i32
      %dma_wait3A_35 = tpu.memref_slice %arg4[%add3A, %dma_wait3A, %dma_wait3A_34] : memref<32x79x128xi32, #tpu.memory_space<hbm>> -> memref<1x79x128xi32, #tpu.memory_space<hbm>>
      %dma_wait3A_36 = tpu.memref_squeeze %dma_wait3A_35 : memref<1x79x128xi32, #tpu.memory_space<hbm>> -> memref<79x128xi32, #tpu.memory_space<hbm>>
      %dma_wait3A_37 = arith.constant 0 : i32
      %dma_wait3A_38 = arith.constant 0 : i32
      %dma_wait3A_39 = tpu.memref_slice %arg4[%add3A, %dma_wait3A_37, %dma_wait3A_38] : memref<32x79x128xi32, #tpu.memory_space<hbm>> -> memref<1x79x128xi32, #tpu.memory_space<hbm>>
      %dma_wait3A_40 = tpu.memref_squeeze %dma_wait3A_39 : memref<1x79x128xi32, #tpu.memory_space<hbm>> -> memref<79x128xi32, #tpu.memory_space<hbm>>
      tpu.wait_dma2 semaphore(%run_scoped3A : memref<!tpu.dma_semaphore, #tpu.memory_space<semaphore_mem>>) src(%dma_wait3A_40 : memref<79x128xi32, #tpu.memory_space<hbm>>) dst(%arg7 : memref<79x128xi32, #tpu.memory_space<vmem>>)
      tpu.yield
    }) : () -> ()
    %barrier3A = arith.constant 0 : index
    tpu.barrier barrier_id(%barrier3A)
    %scan3A_15 = arith.constant 0 : i32
    %scan3A_16 = arith.constant 0 : i32
    %scan3A_17 = arith.constant 79 : i32
    %scan3A_18 = arith.addi %scan3A_16, %scan3A_17 : i32
    %scan3A_19 = arith.constant 1 : i32
    %scan3A_20 = scf.for %scan3A_27 = %scan3A_16 to %scan3A_18 step %scan3A_19 iter_args(%scan3A_28 = %scan3A_15) -> (i32)  : i32 {
      %dma_start3A = arith.constant 0 : i32
      %dma_start3A_29 = tpu.memref_slice %arg6[%scan3A_27, %dma_start3A] : memref<79x128xi32, #tpu.memory_space<vmem>> -> memref<1x128xi32, #tpu.memory_space<vmem>>
      %dma_start3A_30 = tpu.memref_squeeze %dma_start3A_29 : memref<1x128xi32, #tpu.memory_space<vmem>> -> memref<128xi32, #tpu.memory_space<vmem>>
      %dma_start3A_31 = arith.constant 0 : i32
      %dma_start3A_32 = arith.constant 0 : i32
      %dma_start3A_33 = tpu.memref_slice %arg2[%dma_start3A_31, %dma_start3A_32] : memref<10000x128xf32, #tpu.memory_space<hbm>> -> memref<10000x128xf32, #tpu.memory_space<hbm>>
      tpu.enqueue_indirect_dma source(%dma_start3A_33 : memref<10000x128xf32, #tpu.memory_space<hbm>>) target(%arg8 : memref<128x128xf32, #tpu.memory_space<vmem>>) offsets(%dma_start3A_30 : memref<128xi32, #tpu.memory_space<vmem>>) semaphore(%arg11 : memref<!tpu.dma_semaphore, #tpu.memory_space<semaphore_mem>>)
      %dma_wait3A = arith.constant 0 : i32
      %dma_wait3A_34 = tpu.memref_slice %arg6[%scan3A_27, %dma_wait3A] : memref<79x128xi32, #tpu.memory_space<vmem>> -> memref<1x128xi32, #tpu.memory_space<vmem>>
      %dma_wait3A_35 = tpu.memref_squeeze %dma_wait3A_34 : memref<1x128xi32, #tpu.memory_space<vmem>> -> memref<128xi32, #tpu.memory_space<vmem>>
      %dma_wait3A_36 = arith.constant 0 : i32
      %dma_wait3A_37 = arith.constant 0 : i32
      %dma_wait3A_38 = tpu.memref_slice %arg2[%dma_wait3A_36, %dma_wait3A_37] : memref<10000x128xf32, #tpu.memory_space<hbm>> -> memref<10000x128xf32, #tpu.memory_space<hbm>>
      tpu.wait_indirect_dma semaphore(%arg11 : memref<!tpu.dma_semaphore, #tpu.memory_space<semaphore_mem>>) src(%dma_wait3A_38 : memref<10000x128xf32, #tpu.memory_space<hbm>>) dst(%arg8 : memref<128x128xf32, #tpu.memory_space<vmem>>)
      "tpu.region"() ({
        %run_scoped3A = tpu.sem_alloc : memref<!tpu.dma_semaphore, #tpu.memory_space<semaphore_mem>>
        %dma_start3A_40 = arith.constant 0 : i32
        %dma_start3A_41 = tpu.memref_slice %arg7[%scan3A_27, %dma_start3A_40] : memref<79x128xi32, #tpu.memory_space<vmem>> -> memref<1x128xi32, #tpu.memory_space<vmem>>
        %dma_start3A_42 = tpu.memref_squeeze %dma_start3A_41 : memref<1x128xi32, #tpu.memory_space<vmem>> -> memref<128xi32, #tpu.memory_space<vmem>>
        %dma_start3A_43 = arith.constant 0 : i32
        %dma_start3A_44 = arith.constant 0 : i32
        %dma_start3A_45 = tpu.memref_slice %arg10[%dma_start3A_43, %dma_start3A_44] : memref<10240x128xf32, #tpu.memory_space<vmem_shared>> -> memref<10240x128xf32, #tpu.memory_space<vmem_shared>>
        tpu.enqueue_indirect_dma source(%arg8 : memref<128x128xf32, #tpu.memory_space<vmem>>) target(%dma_start3A_45 : memref<10240x128xf32, #tpu.memory_space<vmem_shared>>) offsets(%dma_start3A_42 : memref<128xi32, #tpu.memory_space<vmem>>) semaphore(%run_scoped3A : memref<!tpu.dma_semaphore, #tpu.memory_space<semaphore_mem>>) {add = true}
        %dma_wait3A_46 = arith.constant 0 : i32
        %dma_wait3A_47 = tpu.memref_slice %arg7[%scan3A_27, %dma_wait3A_46] : memref<79x128xi32, #tpu.memory_space<vmem>> -> memref<1x128xi32, #tpu.memory_space<vmem>>
        %dma_wait3A_48 = tpu.memref_squeeze %dma_wait3A_47 : memref<1x128xi32, #tpu.memory_space<vmem>> -> memref<128xi32, #tpu.memory_space<vmem>>
        %dma_wait3A_49 = arith.constant 0 : i32
        %dma_wait3A_50 = arith.constant 0 : i32
        %dma_wait3A_51 = tpu.memref_slice %arg10[%dma_wait3A_49, %dma_wait3A_50] : memref<10240x128xf32, #tpu.memory_space<vmem_shared>> -> memref<10240x128xf32, #tpu.memory_space<vmem_shared>>
        tpu.wait_indirect_dma semaphore(%run_scoped3A : memref<!tpu.dma_semaphore, #tpu.memory_space<semaphore_mem>>) src(%arg8 : memref<128x128xf32, #tpu.memory_space<vmem>>) dst(%dma_wait3A_51 : memref<10240x128xf32, #tpu.memory_space<vmem_shared>>)
        tpu.yield
      }) : () -> ()
      %scan3A_39 = arith.constant 0 : i32
      scf.yield %scan3A_39 : i32
    }
    %scan3A_21 = arith.constant 79 : i32
    %barrier3A_22 = arith.constant 0 : index
    tpu.barrier barrier_id(%barrier3A_22)
    %mul3A_23 = arith.constant 640 : i32
    %mul3A_24 = arith.muli %arg1, %mul3A_23 : i32
    %mul3A_25 = arith.constant 640 : i32
    %mul3A_26 = arith.muli %arg1, %mul3A_25 : i32
    "tpu.region"() ({
      %run_scoped3A = tpu.sem_alloc : memref<!tpu.dma_semaphore, #tpu.memory_space<semaphore_mem>>
      %dma_start3A = arith.constant 0 : i32
      %dma_start3A_27 = tpu.memref_slice %arg5[%arg0, %mul3A_26, %dma_start3A] : memref<2x10240x128xf32, #tpu.memory_space<hbm>> -> memref<1x640x128xf32, #tpu.memory_space<hbm>>
      %dma_start3A_28 = tpu.memref_squeeze %dma_start3A_27 : memref<1x640x128xf32, #tpu.memory_space<hbm>> -> memref<640x128xf32, #tpu.memory_space<hbm>>
      %dma_start3A_29 = arith.constant 0 : i32
      %dma_start3A_30 = tpu.memref_slice %arg10[%mul3A_24, %dma_start3A_29] : memref<10240x128xf32, #tpu.memory_space<vmem_shared>> -> memref<640x128xf32, #tpu.memory_space<vmem_shared>>
      tpu.enqueue_dma source(%dma_start3A_30 : memref<640x128xf32, #tpu.memory_space<vmem_shared>>) target(%dma_start3A_28 : memref<640x128xf32, #tpu.memory_space<hbm>>) target_semaphore(%run_scoped3A : memref<!tpu.dma_semaphore, #tpu.memory_space<semaphore_mem>>)
      %dma_wait3A = arith.constant 0 : i32
      %dma_wait3A_31 = tpu.memref_slice %arg5[%arg0, %mul3A_26, %dma_wait3A] : memref<2x10240x128xf32, #tpu.memory_space<hbm>> -> memref<1x640x128xf32, #tpu.memory_space<hbm>>
      %dma_wait3A_32 = tpu.memref_squeeze %dma_wait3A_31 : memref<1x640x128xf32, #tpu.memory_space<hbm>> -> memref<640x128xf32, #tpu.memory_space<hbm>>
      %dma_wait3A_33 = arith.constant 0 : i32
      %dma_wait3A_34 = tpu.memref_slice %arg10[%mul3A_24, %dma_wait3A_33] : memref<10240x128xf32, #tpu.memory_space<vmem_shared>> -> memref<640x128xf32, #tpu.memory_space<vmem_shared>>
      tpu.wait_dma2 semaphore(%run_scoped3A : memref<!tpu.dma_semaphore, #tpu.memory_space<semaphore_mem>>) src(%dma_wait3A_34 : memref<640x128xf32, #tpu.memory_space<vmem_shared>>) dst(%dma_wait3A_32 : memref<640x128xf32, #tpu.memory_space<hbm>>)
      tpu.yield
    }) : () -> ()
    return
  }
}

#map = affine_map<(d0, d1) -> (0, 0)>
#map1 = affine_map<(d0, d1) -> (0, 0, 0)>
module attributes {stable_mosaic.version = 14 : i64} {
  func.func @_sc_agg_body(%arg0: i32, %arg1: i32, %arg2: memref<10000x128xf32, #tpu.memory_space<hbm>>, %arg3: memref<32x79x128xi32, #tpu.memory_space<hbm>>, %arg4: memref<32x79x128xi32, #tpu.memory_space<hbm>>, %arg5: memref<2x10240x128xf32, #tpu.memory_space<hbm>>, %arg6: memref<79x128xi32, #tpu.memory_space<vmem>>, %arg7: memref<79x128xi32, #tpu.memory_space<vmem>>, %arg8: memref<128x128xf32, #tpu.memory_space<vmem>>, %arg9: memref<16x128xf32, #tpu.memory_space<vmem>>, %arg10: memref<10240x128xf32, #tpu.memory_space<vmem_shared>>, %arg11: memref<!tpu.dma_semaphore, #tpu.memory_space<semaphore_mem>>) attributes {dimension_semantics = [#tpu.dimension_semantics<core_parallel>, #tpu.dimension_semantics<subcore_parallel>], iteration_bounds = array<i64: 2, 16>, scalar_prefetch = 0 : i64, scratch_operands = 6 : i64, tpu.core_type = #tpu.core_type<sc_vector_subcore>, window_params = [{transform_indices = #map}, {transform_indices = #map1}, {transform_indices = #map1}, {transform_indices = #map1}]} {
    %mul3A = arith.constant 2 : i32
    %mul3A_0 = arith.muli %arg1, %mul3A : i32
    %add3A = arith.addi %mul3A_0, %arg0 : i32
    %broadcast_in_dim3A = arith.constant 0.000000e+00 : f32
    %broadcast_in_dim3A_1 = vector.broadcast %broadcast_in_dim3A : f32 to vector<16xf32>
    %scan3A = arith.constant 0 : i32
    %scan3A_2 = arith.constant 0 : i32
    %scan3A_3 = arith.constant 128 : i32
    %scan3A_4 = arith.addi %scan3A_2, %scan3A_3 : i32
    %scan3A_5 = arith.constant 1 : i32
    %scan3A_6 = scf.for %scan3A_27 = %scan3A_2 to %scan3A_4 step %scan3A_5 iter_args(%scan3A_28 = %scan3A) -> (i32)  : i32 {
      %jit3A = arith.constant 8 : i32
      %div3A = arith.divsi %scan3A_27, %jit3A : i32
      %sign3A = arith.constant 0 : i32
      %sign3A_29 = arith.cmpi sgt, %scan3A_27, %sign3A : i32
      %sign3A_30 = arith.extui %sign3A_29 : i1 to i32
      %sign3A_31 = arith.constant 0 : i32
      %sign3A_32 = arith.cmpi slt, %scan3A_27, %sign3A_31 : i32
      %sign3A_33 = arith.extui %sign3A_32 : i1 to i32
      %sign3A_34 = arith.subi %sign3A_30, %sign3A_33 : i32
      %sign3A_35 = arith.constant 0 : i32
      %sign3A_36 = arith.cmpi sgt, %jit3A, %sign3A_35 : i32
      %sign3A_37 = arith.extui %sign3A_36 : i1 to i32
      %sign3A_38 = arith.constant 0 : i32
      %sign3A_39 = arith.cmpi slt, %jit3A, %sign3A_38 : i32
      %sign3A_40 = arith.extui %sign3A_39 : i1 to i32
      %sign3A_41 = arith.subi %sign3A_37, %sign3A_40 : i32
      %ne3A = arith.cmpi ne, %sign3A_34, %sign3A_41 : i32
      %rem3A = arith.remsi %scan3A_27, %jit3A : i32
      %ne3A_42 = arith.constant 0 : i32
      %ne3A_43 = arith.cmpi ne, %rem3A, %ne3A_42 : i32
      %and3A = arith.andi %ne3A, %ne3A_43 : i1
      %sub3A = arith.constant 1 : i32
      %sub3A_44 = arith.subi %div3A, %sub3A : i32
      %select_n3A = arith.select %and3A, %sub3A_44, %div3A : i32
      %jit3A_45 = arith.constant 8 : i32
      %eq3A = arith.constant 0 : i32
      %eq3A_46 = arith.cmpi eq, %jit3A_45, %eq3A : i32
      %jit3A_47 = arith.constant 1 : i32
      %select_n3A_48 = arith.select %eq3A_46, %jit3A_47, %jit3A_45 : i32
      %rem3A_49 = arith.remsi %scan3A_27, %select_n3A_48 : i32
      %ne3A_50 = arith.constant 0 : i32
      %ne3A_51 = arith.cmpi ne, %rem3A_49, %ne3A_50 : i32
      %lt3A = arith.constant 0 : i32
      %lt3A_52 = arith.cmpi slt, %rem3A_49, %lt3A : i32
      %lt3A_53 = arith.constant 0 : i32
      %lt3A_54 = arith.cmpi slt, %select_n3A_48, %lt3A_53 : i32
      %ne3A_55 = arith.xori %lt3A_52, %lt3A_54 : i1
      %and3A_56 = arith.andi %ne3A_55, %ne3A_51 : i1
      %add3A_57 = arith.addi %rem3A_49, %select_n3A_48 : i32
      %select_n3A_58 = arith.select %and3A_56, %add3A_57, %rem3A_49 : i32
      %mul3A_59 = arith.constant 16 : i32
      %mul3A_60 = arith.muli %select_n3A_58, %mul3A_59 : i32
      %swap3A = arith.index_cast %select_n3A : i32 to index
      %swap3A_61 = arith.index_cast %mul3A_60 : i32 to index
      %swap3A_62 = tpu.vector_load %arg9[%swap3A, %swap3A_61] {strides = array<i32>} : memref<16x128xf32, #tpu.memory_space<vmem>>, vector<1x16xf32>,
      %swap3A_63 = vector.shape_cast %swap3A_62 : vector<1x16xf32> to vector<16xf32>
      %swap3A_64 = vector.shape_cast %broadcast_in_dim3A_1 : vector<16xf32> to vector<1x16xf32>
      tpu.vector_store %arg9[%swap3A, %swap3A_61], %swap3A_64 {strides = array<i32>} : memref<16x128xf32, #tpu.memory_space<vmem>>, vector<1x16xf32>,
      %scan3A_65 = arith.constant 0 : i32
      scf.yield %scan3A_65 : i32
    }
    %scan3A_7 = arith.constant 128 : i32
    %scan3A_8 = arith.constant 0 : i32
    %scan3A_9 = arith.constant 0 : i32
    %scan3A_10 = arith.constant 40 : i32
    %scan3A_11 = arith.addi %scan3A_9, %scan3A_10 : i32
    %scan3A_12 = arith.constant 1 : i32
    %scan3A_13 = scf.for %scan3A_27 = %scan3A_9 to %scan3A_11 step %scan3A_12 iter_args(%scan3A_28 = %scan3A_8) -> (i32)  : i32 {
      %mul3A_29 = arith.constant 640 : i32
      %mul3A_30 = arith.muli %arg1, %mul3A_29 : i32
      %mul3A_31 = arith.constant 16 : i32
      %mul3A_32 = arith.muli %scan3A_27, %mul3A_31 : i32
      %add3A_33 = arith.addi %mul3A_30, %mul3A_32 : i32
      "tpu.region"() ({
        %run_scoped3A = tpu.sem_alloc : memref<!tpu.dma_semaphore, #tpu.memory_space<semaphore_mem>>
        %dma_start3A = arith.constant 0 : i32
        %dma_start3A_35 = tpu.memref_slice %arg10[%add3A_33, %dma_start3A] : memref<10240x128xf32, #tpu.memory_space<vmem_shared>> -> memref<16x128xf32, #tpu.memory_space<vmem_shared>>
        %dma_start3A_36 = arith.constant 0 : i32
        %dma_start3A_37 = tpu.memref_slice %arg10[%add3A_33, %dma_start3A_36] : memref<10240x128xf32, #tpu.memory_space<vmem_shared>> -> memref<16x128xf32, #tpu.memory_space<vmem_shared>>
        tpu.enqueue_dma source(%arg9 : memref<16x128xf32, #tpu.memory_space<vmem>>) target(%dma_start3A_37 : memref<16x128xf32, #tpu.memory_space<vmem_shared>>) target_semaphore(%run_scoped3A : memref<!tpu.dma_semaphore, #tpu.memory_space<semaphore_mem>>)
        %dma_wait3A = arith.constant 0 : i32
        %dma_wait3A_38 = tpu.memref_slice %arg10[%add3A_33, %dma_wait3A] : memref<10240x128xf32, #tpu.memory_space<vmem_shared>> -> memref<16x128xf32, #tpu.memory_space<vmem_shared>>
        %dma_wait3A_39 = arith.constant 0 : i32
        %dma_wait3A_40 = tpu.memref_slice %arg10[%add3A_33, %dma_wait3A_39] : memref<10240x128xf32, #tpu.memory_space<vmem_shared>> -> memref<16x128xf32, #tpu.memory_space<vmem_shared>>
        tpu.wait_dma2 semaphore(%run_scoped3A : memref<!tpu.dma_semaphore, #tpu.memory_space<semaphore_mem>>) src(%arg9 : memref<16x128xf32, #tpu.memory_space<vmem>>) dst(%dma_wait3A_40 : memref<16x128xf32, #tpu.memory_space<vmem_shared>>)
        tpu.yield
      }) : () -> ()
      %scan3A_34 = arith.constant 0 : i32
      scf.yield %scan3A_34 : i32
    }
    %scan3A_14 = arith.constant 40 : i32
    "tpu.region"() ({
      %run_scoped3A = tpu.sem_alloc : memref<!tpu.dma_semaphore, #tpu.memory_space<semaphore_mem>>
      %dma_start3A = arith.constant 0 : i32
      %dma_start3A_27 = arith.constant 0 : i32
      %dma_start3A_28 = tpu.memref_slice %arg3[%add3A, %dma_start3A, %dma_start3A_27] : memref<32x79x128xi32, #tpu.memory_space<hbm>> -> memref<1x79x128xi32, #tpu.memory_space<hbm>>
      %dma_start3A_29 = tpu.memref_squeeze %dma_start3A_28 : memref<1x79x128xi32, #tpu.memory_space<hbm>> -> memref<79x128xi32, #tpu.memory_space<hbm>>
      %dma_start3A_30 = arith.constant 0 : i32
      %dma_start3A_31 = arith.constant 0 : i32
      %dma_start3A_32 = tpu.memref_slice %arg3[%add3A, %dma_start3A_30, %dma_start3A_31] : memref<32x79x128xi32, #tpu.memory_space<hbm>> -> memref<1x79x128xi32, #tpu.memory_space<hbm>>
      %dma_start3A_33 = tpu.memref_squeeze %dma_start3A_32 : memref<1x79x128xi32, #tpu.memory_space<hbm>> -> memref<79x128xi32, #tpu.memory_space<hbm>>
      tpu.enqueue_dma source(%dma_start3A_33 : memref<79x128xi32, #tpu.memory_space<hbm>>) target(%arg6 : memref<79x128xi32, #tpu.memory_space<vmem>>) target_semaphore(%run_scoped3A : memref<!tpu.dma_semaphore, #tpu.memory_space<semaphore_mem>>)
      %dma_wait3A = arith.constant 0 : i32
      %dma_wait3A_34 = arith.constant 0 : i32
      %dma_wait3A_35 = tpu.memref_slice %arg3[%add3A, %dma_wait3A, %dma_wait3A_34] : memref<32x79x128xi32, #tpu.memory_space<hbm>> -> memref<1x79x128xi32, #tpu.memory_space<hbm>>
      %dma_wait3A_36 = tpu.memref_squeeze %dma_wait3A_35 : memref<1x79x128xi32, #tpu.memory_space<hbm>> -> memref<79x128xi32, #tpu.memory_space<hbm>>
      %dma_wait3A_37 = arith.constant 0 : i32
      %dma_wait3A_38 = arith.constant 0 : i32
      %dma_wait3A_39 = tpu.memref_slice %arg3[%add3A, %dma_wait3A_37, %dma_wait3A_38] : memref<32x79x128xi32, #tpu.memory_space<hbm>> -> memref<1x79x128xi32, #tpu.memory_space<hbm>>
      %dma_wait3A_40 = tpu.memref_squeeze %dma_wait3A_39 : memref<1x79x128xi32, #tpu.memory_space<hbm>> -> memref<79x128xi32, #tpu.memory_space<hbm>>
      tpu.wait_dma2 semaphore(%run_scoped3A : memref<!tpu.dma_semaphore, #tpu.memory_space<semaphore_mem>>) src(%dma_wait3A_40 : memref<79x128xi32, #tpu.memory_space<hbm>>) dst(%arg6 : memref<79x128xi32, #tpu.memory_space<vmem>>)
      tpu.yield
    }) : () -> ()
    "tpu.region"() ({
      %run_scoped3A = tpu.sem_alloc : memref<!tpu.dma_semaphore, #tpu.memory_space<semaphore_mem>>
      %dma_start3A = arith.constant 0 : i32
      %dma_start3A_27 = arith.constant 0 : i32
      %dma_start3A_28 = tpu.memref_slice %arg4[%add3A, %dma_start3A, %dma_start3A_27] : memref<32x79x128xi32, #tpu.memory_space<hbm>> -> memref<1x79x128xi32, #tpu.memory_space<hbm>>
      %dma_start3A_29 = tpu.memref_squeeze %dma_start3A_28 : memref<1x79x128xi32, #tpu.memory_space<hbm>> -> memref<79x128xi32, #tpu.memory_space<hbm>>
      %dma_start3A_30 = arith.constant 0 : i32
      %dma_start3A_31 = arith.constant 0 : i32
      %dma_start3A_32 = tpu.memref_slice %arg4[%add3A, %dma_start3A_30, %dma_start3A_31] : memref<32x79x128xi32, #tpu.memory_space<hbm>> -> memref<1x79x128xi32, #tpu.memory_space<hbm>>
      %dma_start3A_33 = tpu.memref_squeeze %dma_start3A_32 : memref<1x79x128xi32, #tpu.memory_space<hbm>> -> memref<79x128xi32, #tpu.memory_space<hbm>>
      tpu.enqueue_dma source(%dma_start3A_33 : memref<79x128xi32, #tpu.memory_space<hbm>>) target(%arg7 : memref<79x128xi32, #tpu.memory_space<vmem>>) target_semaphore(%run_scoped3A : memref<!tpu.dma_semaphore, #tpu.memory_space<semaphore_mem>>)
      %dma_wait3A = arith.constant 0 : i32
      %dma_wait3A_34 = arith.constant 0 : i32
      %dma_wait3A_35 = tpu.memref_slice %arg4[%add3A, %dma_wait3A, %dma_wait3A_34] : memref<32x79x128xi32, #tpu.memory_space<hbm>> -> memref<1x79x128xi32, #tpu.memory_space<hbm>>
      %dma_wait3A_36 = tpu.memref_squeeze %dma_wait3A_35 : memref<1x79x128xi32, #tpu.memory_space<hbm>> -> memref<79x128xi32, #tpu.memory_space<hbm>>
      %dma_wait3A_37 = arith.constant 0 : i32
      %dma_wait3A_38 = arith.constant 0 : i32
      %dma_wait3A_39 = tpu.memref_slice %arg4[%add3A, %dma_wait3A_37, %dma_wait3A_38] : memref<32x79x128xi32, #tpu.memory_space<hbm>> -> memref<1x79x128xi32, #tpu.memory_space<hbm>>
      %dma_wait3A_40 = tpu.memref_squeeze %dma_wait3A_39 : memref<1x79x128xi32, #tpu.memory_space<hbm>> -> memref<79x128xi32, #tpu.memory_space<hbm>>
      tpu.wait_dma2 semaphore(%run_scoped3A : memref<!tpu.dma_semaphore, #tpu.memory_space<semaphore_mem>>) src(%dma_wait3A_40 : memref<79x128xi32, #tpu.memory_space<hbm>>) dst(%arg7 : memref<79x128xi32, #tpu.memory_space<vmem>>)
      tpu.yield
    }) : () -> ()
    %barrier3A = arith.constant 0 : index
    tpu.barrier barrier_id(%barrier3A)
    %scan3A_15 = arith.constant 0 : i32
    %scan3A_16 = arith.constant 0 : i32
    %scan3A_17 = arith.constant 79 : i32
    %scan3A_18 = arith.addi %scan3A_16, %scan3A_17 : i32
    %scan3A_19 = arith.constant 1 : i32
    %scan3A_20 = scf.for %scan3A_27 = %scan3A_16 to %scan3A_18 step %scan3A_19 iter_args(%scan3A_28 = %scan3A_15) -> (i32)  : i32 {
      %dma_start3A = arith.constant 0 : i32
      %dma_start3A_29 = tpu.memref_slice %arg6[%scan3A_27, %dma_start3A] : memref<79x128xi32, #tpu.memory_space<vmem>> -> memref<1x128xi32, #tpu.memory_space<vmem>>
      %dma_start3A_30 = tpu.memref_squeeze %dma_start3A_29 : memref<1x128xi32, #tpu.memory_space<vmem>> -> memref<128xi32, #tpu.memory_space<vmem>>
      %dma_start3A_31 = arith.constant 0 : i32
      %dma_start3A_32 = arith.constant 0 : i32
      %dma_start3A_33 = tpu.memref_slice %arg2[%dma_start3A_31, %dma_start3A_32] : memref<10000x128xf32, #tpu.memory_space<hbm>> -> memref<10000x128xf32, #tpu.memory_space<hbm>>
      tpu.enqueue_indirect_dma source(%dma_start3A_33 : memref<10000x128xf32, #tpu.memory_space<hbm>>) target(%arg8 : memref<128x128xf32, #tpu.memory_space<vmem>>) offsets(%dma_start3A_30 : memref<128xi32, #tpu.memory_space<vmem>>) semaphore(%arg11 : memref<!tpu.dma_semaphore, #tpu.memory_space<semaphore_mem>>)
      %dma_wait3A = arith.constant 0 : i32
      %dma_wait3A_34 = tpu.memref_slice %arg6[%scan3A_27, %dma_wait3A] : memref<79x128xi32, #tpu.memory_space<vmem>> -> memref<1x128xi32, #tpu.memory_space<vmem>>
      %dma_wait3A_35 = tpu.memref_squeeze %dma_wait3A_34 : memref<1x128xi32, #tpu.memory_space<vmem>> -> memref<128xi32, #tpu.memory_space<vmem>>
      %dma_wait3A_36 = arith.constant 0 : i32
      %dma_wait3A_37 = arith.constant 0 : i32
      %dma_wait3A_38 = tpu.memref_slice %arg2[%dma_wait3A_36, %dma_wait3A_37] : memref<10000x128xf32, #tpu.memory_space<hbm>> -> memref<10000x128xf32, #tpu.memory_space<hbm>>
      tpu.wait_indirect_dma semaphore(%arg11 : memref<!tpu.dma_semaphore, #tpu.memory_space<semaphore_mem>>) src(%dma_wait3A_38 : memref<10000x128xf32, #tpu.memory_space<hbm>>) dst(%arg8 : memref<128x128xf32, #tpu.memory_space<vmem>>)
      "tpu.region"() ({
        %run_scoped3A = tpu.sem_alloc : memref<!tpu.dma_semaphore, #tpu.memory_space<semaphore_mem>>
        %dma_start3A_40 = arith.constant 0 : i32
        %dma_start3A_41 = tpu.memref_slice %arg7[%scan3A_27, %dma_start3A_40] : memref<79x128xi32, #tpu.memory_space<vmem>> -> memref<1x128xi32, #tpu.memory_space<vmem>>
        %dma_start3A_42 = tpu.memref_squeeze %dma_start3A_41 : memref<1x128xi32, #tpu.memory_space<vmem>> -> memref<128xi32, #tpu.memory_space<vmem>>
        %dma_start3A_43 = arith.constant 0 : i32
        %dma_start3A_44 = arith.constant 0 : i32
        %dma_start3A_45 = tpu.memref_slice %arg10[%dma_start3A_43, %dma_start3A_44] : memref<10240x128xf32, #tpu.memory_space<vmem_shared>> -> memref<10240x128xf32, #tpu.memory_space<vmem_shared>>
        tpu.enqueue_indirect_dma source(%arg8 : memref<128x128xf32, #tpu.memory_space<vmem>>) target(%dma_start3A_45 : memref<10240x128xf32, #tpu.memory_space<vmem_shared>>) offsets(%dma_start3A_42 : memref<128xi32, #tpu.memory_space<vmem>>) semaphore(%run_scoped3A : memref<!tpu.dma_semaphore, #tpu.memory_space<semaphore_mem>>) {add = true}
        %dma_wait3A_46 = arith.constant 0 : i32
        %dma_wait3A_47 = tpu.memref_slice %arg7[%scan3A_27, %dma_wait3A_46] : memref<79x128xi32, #tpu.memory_space<vmem>> -> memref<1x128xi32, #tpu.memory_space<vmem>>
        %dma_wait3A_48 = tpu.memref_squeeze %dma_wait3A_47 : memref<1x128xi32, #tpu.memory_space<vmem>> -> memref<128xi32, #tpu.memory_space<vmem>>
        %dma_wait3A_49 = arith.constant 0 : i32
        %dma_wait3A_50 = arith.constant 0 : i32
        %dma_wait3A_51 = tpu.memref_slice %arg10[%dma_wait3A_49, %dma_wait3A_50] : memref<10240x128xf32, #tpu.memory_space<vmem_shared>> -> memref<10240x128xf32, #tpu.memory_space<vmem_shared>>
        tpu.wait_indirect_dma semaphore(%run_scoped3A : memref<!tpu.dma_semaphore, #tpu.memory_space<semaphore_mem>>) src(%arg8 : memref<128x128xf32, #tpu.memory_space<vmem>>) dst(%dma_wait3A_51 : memref<10240x128xf32, #tpu.memory_space<vmem_shared>>)
        tpu.yield
      }) : () -> ()
      %scan3A_39 = arith.constant 0 : i32
      scf.yield %scan3A_39 : i32
    }
    %scan3A_21 = arith.constant 79 : i32
    %barrier3A_22 = arith.constant 0 : index
    tpu.barrier barrier_id(%barrier3A_22)
    %mul3A_23 = arith.constant 640 : i32
    %mul3A_24 = arith.muli %arg1, %mul3A_23 : i32
    %mul3A_25 = arith.constant 640 : i32
    %mul3A_26 = arith.muli %arg1, %mul3A_25 : i32
    "tpu.region"() ({
      %run_scoped3A = tpu.sem_alloc : memref<!tpu.dma_semaphore, #tpu.memory_space<semaphore_mem>>
      %dma_start3A = arith.constant 0 : i32
      %dma_start3A_27 = tpu.memref_slice %arg5[%arg0, %mul3A_26, %dma_start3A] : memref<2x10240x128xf32, #tpu.memory_space<hbm>> -> memref<1x640x128xf32, #tpu.memory_space<hbm>>
      %dma_start3A_28 = tpu.memref_squeeze %dma_start3A_27 : memref<1x640x128xf32, #tpu.memory_space<hbm>> -> memref<640x128xf32, #tpu.memory_space<hbm>>
      %dma_start3A_29 = arith.constant 0 : i32
      %dma_start3A_30 = tpu.memref_slice %arg10[%mul3A_24, %dma_start3A_29] : memref<10240x128xf32, #tpu.memory_space<vmem_shared>> -> memref<640x128xf32, #tpu.memory_space<vmem_shared>>
      tpu.enqueue_dma source(%dma_start3A_30 : memref<640x128xf32, #tpu.memory_space<vmem_shared>>) target(%dma_start3A_28 : memref<640x128xf32, #tpu.memory_space<hbm>>) target_semaphore(%run_scoped3A : memref<!tpu.dma_semaphore, #tpu.memory_space<semaphore_mem>>)
      %dma_wait3A = arith.constant 0 : i32
      %dma_wait3A_31 = tpu.memref_slice %arg5[%arg0, %mul3A_26, %dma_wait3A] : memref<2x10240x128xf32, #tpu.memory_space<hbm>> -> memref<1x640x128xf32, #tpu.memory_space<hbm>>
      %dma_wait3A_32 = tpu.memref_squeeze %dma_wait3A_31 : memref<1x640x128xf32, #tpu.memory_space<hbm>> -> memref<640x128xf32, #tpu.memory_space<hbm>>
      %dma_wait3A_33 = arith.constant 0 : i32
      %dma_wait3A_34 = tpu.memref_slice %arg10[%mul3A_24, %dma_wait3A_33] : memref<10240x128xf32, #tpu.memory_space<vmem_shared>> -> memref<640x128xf32, #tpu.memory_space<vmem_shared>>
      tpu.wait_dma2 semaphore(%run_scoped3A : memref<!tpu.dma_semaphore, #tpu.memory_space<semaphore_mem>>) src(%dma_wait3A_34 : memref<640x128xf32, #tpu.memory_space<vmem_shared>>) dst(%dma_wait3A_32 : memref<640x128xf32, #tpu.memory_space<hbm>>)
      tpu.yield
    }) : () -> ()
    return
  }
}

module attributes {stable_mosaic.version = 14 : i64} {
  func.func @_tc1_body(%arg0: memref<10000x128xf32, #tpu.memory_space<vmem>>, %arg1: memref<128x128xf32, #tpu.memory_space<vmem>>, %arg2: memref<10000x1xf32, #tpu.memory_space<vmem>>, %arg3: memref<10000x1xf32, #tpu.memory_space<vmem>>, %arg4: memref<10000x128xf32, #tpu.memory_space<vmem>>, %arg5: memref<10000x1xf32, #tpu.memory_space<vmem>>) attributes {dimension_semantics = [], scalar_prefetch = 0 : i64, scratch_operands = 0 : i64, tpu.core_type = #tpu.core_type<tc>} {
    %get3A = arith.constant 0 : index
    %get3A_0 = arith.constant 0 : index
    %get3A_1 = vector.load %arg2[%get3A, %get3A_0] : memref<10000x1xf32, #tpu.memory_space<vmem>>, vector<10000x1xf32>
    %add3A = arith.constant 1.000000e+00 : f32
    %add3A_2 = vector.broadcast %add3A : f32 to vector<10000x1xf32>
    %add3A_3 = arith.addf %add3A_2, %get3A_1 : vector<10000x1xf32>
    %get3A_4 = arith.constant 0 : index
    %get3A_5 = arith.constant 0 : index
    %get3A_6 = vector.load %arg3[%get3A_4, %get3A_5] : memref<10000x1xf32, #tpu.memory_space<vmem>>, vector<10000x1xf32>
    %add3A_7 = arith.addf %add3A_3, %get3A_6 : vector<10000x1xf32>
    %rsqrt3A = math.rsqrt %add3A_7 : vector<10000x1xf32>
    %get3A_8 = arith.constant 0 : index
    %get3A_9 = arith.constant 0 : index
    %get3A_10 = vector.load %arg0[%get3A_8, %get3A_9] : memref<10000x128xf32, #tpu.memory_space<vmem>>, vector<10000x128xf32>
    %get3A_11 = arith.constant 0 : index
    %get3A_12 = arith.constant 0 : index
    %get3A_13 = vector.load %arg1[%get3A_11, %get3A_12] : memref<128x128xf32, #tpu.memory_space<vmem>>, vector<128x128xf32>
    %dot_general3A = arith.constant dense<0.000000e+00> : vector<10000x128xf32>
    %dot_general3A_14 = tpu.matmul %get3A_10, %get3A_13, %dot_general3A {dimension_numbers = #tpu.dot_dimension_numbers<[1], [0], [0], [1], [0, 0, 1, 1], [], []>, precision = #tpu.contract_precision<fp32>, transpose_lhs_hint = false} : vector<10000x128xf32>, vector<128x128xf32>, vector<10000x128xf32> -> vector<10000x128xf32>
    %mul3A = vector.broadcast %rsqrt3A : vector<10000x1xf32> to vector<10000x128xf32>
    %mul3A_15 = arith.mulf %mul3A, %dot_general3A_14 : vector<10000x128xf32>
    %swap3A = arith.constant 0 : index
    %swap3A_16 = arith.constant 0 : index
    %swap3A_17 = vector.load %arg4[%swap3A, %swap3A_16] : memref<10000x128xf32, #tpu.memory_space<vmem>>, vector<10000x128xf32>
    tpu.vector_store %arg4[%swap3A, %swap3A_16], %mul3A_15 {strides = array<i32>} : memref<10000x128xf32, #tpu.memory_space<vmem>>, vector<10000x128xf32>,
    %swap3A_18 = arith.constant 0 : index
    %swap3A_19 = arith.constant 0 : index
    %swap3A_20 = vector.load %arg5[%swap3A_18, %swap3A_19] : memref<10000x1xf32, #tpu.memory_space<vmem>>, vector<10000x1xf32>
    tpu.vector_store %arg5[%swap3A_18, %swap3A_19], %rsqrt3A {strides = array<i32>} : memref<10000x1xf32, #tpu.memory_space<vmem>>, vector<10000x1xf32>,
    return
  }
}

module attributes {stable_mosaic.version = 14 : i64} {
  func.func @_tc2_body(%arg0: memref<10000x128xf32, #tpu.memory_space<vmem>>, %arg1: memref<10000x128xf32, #tpu.memory_space<vmem>>, %arg2: memref<10000x128xf32, #tpu.memory_space<vmem>>, %arg3: memref<10000x1xf32, #tpu.memory_space<vmem>>, %arg4: memref<128x128xf32, #tpu.memory_space<vmem>>, %arg5: memref<1x128xf32, #tpu.memory_space<vmem>>, %arg6: memref<10000x128xf32, #tpu.memory_space<vmem>>) attributes {dimension_semantics = [], scalar_prefetch = 0 : i64, scratch_operands = 0 : i64, tpu.core_type = #tpu.core_type<tc>} {
    %get3A = arith.constant 0 : index
    %get3A_0 = arith.constant 0 : index
    %get3A_1 = vector.load %arg3[%get3A, %get3A_0] : memref<10000x1xf32, #tpu.memory_space<vmem>>, vector<10000x1xf32>
    %get3A_2 = arith.constant 0 : index
    %get3A_3 = arith.constant 0 : index
    %get3A_4 = vector.load %arg0[%get3A_2, %get3A_3] : memref<10000x128xf32, #tpu.memory_space<vmem>>, vector<10000x128xf32>
    %get3A_5 = arith.constant 0 : index
    %get3A_6 = arith.constant 0 : index
    %get3A_7 = vector.load %arg1[%get3A_5, %get3A_6] : memref<10000x128xf32, #tpu.memory_space<vmem>>, vector<10000x128xf32>
    %add3A = arith.addf %get3A_4, %get3A_7 : vector<10000x128xf32>
    %get3A_8 = arith.constant 0 : index
    %get3A_9 = arith.constant 0 : index
    %get3A_10 = vector.load %arg2[%get3A_8, %get3A_9] : memref<10000x128xf32, #tpu.memory_space<vmem>>, vector<10000x128xf32>
    %add3A_11 = arith.addf %add3A, %get3A_10 : vector<10000x128xf32>
    %mul3A = vector.broadcast %get3A_1 : vector<10000x1xf32> to vector<10000x128xf32>
    %mul3A_12 = arith.mulf %mul3A, %add3A_11 : vector<10000x128xf32>
    %get3A_13 = arith.constant 0 : index
    %get3A_14 = arith.constant 0 : index
    %get3A_15 = vector.load %arg5[%get3A_13, %get3A_14] : memref<1x128xf32, #tpu.memory_space<vmem>>, vector<1x128xf32>
    %add3A_16 = vector.broadcast %get3A_15 : vector<1x128xf32> to vector<10000x128xf32>
    %add3A_17 = arith.addf %mul3A_12, %add3A_16 : vector<10000x128xf32>
    %max3A = arith.constant 0.000000e+00 : f32
    %max3A_18 = vector.broadcast %max3A : f32 to vector<10000x128xf32>
    %max3A_19 = arith.maximumf %add3A_17, %max3A_18 : vector<10000x128xf32>
    %get3A_20 = arith.constant 0 : index
    %get3A_21 = arith.constant 0 : index
    %get3A_22 = vector.load %arg4[%get3A_20, %get3A_21] : memref<128x128xf32, #tpu.memory_space<vmem>>, vector<128x128xf32>
    %dot_general3A = arith.constant dense<0.000000e+00> : vector<10000x128xf32>
    %dot_general3A_23 = tpu.matmul %max3A_19, %get3A_22, %dot_general3A {dimension_numbers = #tpu.dot_dimension_numbers<[1], [0], [0], [1], [0, 0, 1, 1], [], []>, precision = #tpu.contract_precision<fp32>, transpose_lhs_hint = false} : vector<10000x128xf32>, vector<128x128xf32>, vector<10000x128xf32> -> vector<10000x128xf32>
    %mul3A_24 = vector.broadcast %get3A_1 : vector<10000x1xf32> to vector<10000x128xf32>
    %mul3A_25 = arith.mulf %mul3A_24, %dot_general3A_23 : vector<10000x128xf32>
    %swap3A = arith.constant 0 : index
    %swap3A_26 = arith.constant 0 : index
    %swap3A_27 = vector.load %arg6[%swap3A, %swap3A_26] : memref<10000x128xf32, #tpu.memory_space<vmem>>, vector<10000x128xf32>
    tpu.vector_store %arg6[%swap3A, %swap3A_26], %mul3A_25 {strides = array<i32>} : memref<10000x128xf32, #tpu.memory_space<vmem>>, vector<10000x128xf32>,
    return
  }
}

module attributes {stable_mosaic.version = 14 : i64} {
  func.func @_tc3_body(%arg0: memref<10000x128xf32, #tpu.memory_space<vmem>>, %arg1: memref<10000x128xf32, #tpu.memory_space<vmem>>, %arg2: memref<10000x128xf32, #tpu.memory_space<vmem>>, %arg3: memref<10000x1xf32, #tpu.memory_space<vmem>>, %arg4: memref<1x128xf32, #tpu.memory_space<vmem>>, %arg5: memref<1x10000xi32, #tpu.memory_space<vmem>>, %arg6: memref<128x1xf32, #tpu.memory_space<vmem>>, %arg7: memref<1x1xf32, #tpu.memory_space<vmem>>, %arg8: memref<64x1xf32, #tpu.memory_space<vmem>>) attributes {dimension_semantics = [], scalar_prefetch = 0 : i64, scratch_operands = 0 : i64, tpu.core_type = #tpu.core_type<tc>} {
    %get3A = arith.constant 0 : index
    %get3A_0 = arith.constant 0 : index
    %get3A_1 = vector.load %arg3[%get3A, %get3A_0] : memref<10000x1xf32, #tpu.memory_space<vmem>>, vector<10000x1xf32>
    %get3A_2 = arith.constant 0 : index
    %get3A_3 = arith.constant 0 : index
    %get3A_4 = vector.load %arg0[%get3A_2, %get3A_3] : memref<10000x128xf32, #tpu.memory_space<vmem>>, vector<10000x128xf32>
    %get3A_5 = arith.constant 0 : index
    %get3A_6 = arith.constant 0 : index
    %get3A_7 = vector.load %arg1[%get3A_5, %get3A_6] : memref<10000x128xf32, #tpu.memory_space<vmem>>, vector<10000x128xf32>
    %add3A = arith.addf %get3A_4, %get3A_7 : vector<10000x128xf32>
    %get3A_8 = arith.constant 0 : index
    %get3A_9 = arith.constant 0 : index
    %get3A_10 = vector.load %arg2[%get3A_8, %get3A_9] : memref<10000x128xf32, #tpu.memory_space<vmem>>, vector<10000x128xf32>
    %add3A_11 = arith.addf %add3A, %get3A_10 : vector<10000x128xf32>
    %mul3A = vector.broadcast %get3A_1 : vector<10000x1xf32> to vector<10000x128xf32>
    %mul3A_12 = arith.mulf %mul3A, %add3A_11 : vector<10000x128xf32>
    %get3A_13 = arith.constant 0 : index
    %get3A_14 = arith.constant 0 : index
    %get3A_15 = vector.load %arg4[%get3A_13, %get3A_14] : memref<1x128xf32, #tpu.memory_space<vmem>>, vector<1x128xf32>
    %add3A_16 = vector.broadcast %get3A_15 : vector<1x128xf32> to vector<10000x128xf32>
    %add3A_17 = arith.addf %mul3A_12, %add3A_16 : vector<10000x128xf32>
    %max3A = arith.constant 0.000000e+00 : f32
    %max3A_18 = vector.broadcast %max3A : f32 to vector<10000x128xf32>
    %max3A_19 = arith.maximumf %add3A_17, %max3A_18 : vector<10000x128xf32>
    %iota3A = tpu.iota {dimensions = array<i32: 0>} : vector<64x1xi32>
    %get3A_20 = arith.constant 0 : index
    %get3A_21 = arith.constant 0 : index
    %get3A_22 = vector.load %arg5[%get3A_20, %get3A_21] : memref<1x10000xi32, #tpu.memory_space<vmem>>, vector<1x10000xi32>
    %eq3A = vector.broadcast %get3A_22 : vector<1x10000xi32> to vector<64x10000xi32>
    %eq3A_23 = vector.broadcast %iota3A : vector<64x1xi32> to vector<64x10000xi32>
    %eq3A_24 = arith.cmpi eq, %eq3A, %eq3A_23 : vector<64x10000xi32>
    %convert_element_type3A = arith.extui %eq3A_24 : vector<64x10000xi1> to vector<64x10000xi32>
    %convert_element_type3A_25 = arith.sitofp %convert_element_type3A : vector<64x10000xi32> to vector<64x10000xf32>
    %dot_general3A = arith.constant dense<0.000000e+00> : vector<64x128xf32>
    %dot_general3A_26 = tpu.matmul %convert_element_type3A_25, %max3A_19, %dot_general3A {dimension_numbers = #tpu.dot_dimension_numbers<[1], [0], [0], [1], [0, 0, 1, 1], [], []>, precision = #tpu.contract_precision<fp32>, transpose_lhs_hint = false} : vector<64x10000xf32>, vector<10000x128xf32>, vector<64x128xf32> -> vector<64x128xf32>
    %reduce_sum3A = arith.constant dense<0.000000e+00> : vector<64xf32>
    %reduce_sum3A_27 = vector.multi_reduction <add>, %convert_element_type3A_25, %reduce_sum3A [1] : vector<64x10000xf32> to vector<64xf32>
    %broadcast_in_dim3A = vector.shape_cast %reduce_sum3A_27 : vector<64xf32> to vector<64x1xf32>
    %max3A_28 = arith.constant 1.000000e+00 : f32
    %max3A_29 = vector.broadcast %max3A_28 : f32 to vector<64x1xf32>
    %max3A_30 = arith.maximumf %broadcast_in_dim3A, %max3A_29 : vector<64x1xf32>
    %div3A = vector.broadcast %max3A_30 : vector<64x1xf32> to vector<64x128xf32>
    %div3A_31 = arith.divf %dot_general3A_26, %div3A : vector<64x128xf32>
    %get3A_32 = arith.constant 0 : index
    %get3A_33 = arith.constant 0 : index
    %get3A_34 = vector.load %arg6[%get3A_32, %get3A_33] : memref<128x1xf32, #tpu.memory_space<vmem>>, vector<128x1xf32>
    %dot_general3A_35 = arith.constant dense<0.000000e+00> : vector<64x1xf32>
    %dot_general3A_36 = tpu.matmul %div3A_31, %get3A_34, %dot_general3A_35 {dimension_numbers = #tpu.dot_dimension_numbers<[1], [0], [0], [1], [0, 0, 1, 1], [], []>, precision = #tpu.contract_precision<fp32>, transpose_lhs_hint = false} : vector<64x128xf32>, vector<128x1xf32>, vector<64x1xf32> -> vector<64x1xf32>
    %get3A_37 = arith.constant 0 : index
    %get3A_38 = arith.constant 0 : index
    %get3A_39 = vector.load %arg7[%get3A_37, %get3A_38] : memref<1x1xf32, #tpu.memory_space<vmem>>, vector<1x1xf32>
    %add3A_40 = vector.broadcast %get3A_39 : vector<1x1xf32> to vector<64x1xf32>
    %add3A_41 = arith.addf %dot_general3A_36, %add3A_40 : vector<64x1xf32>
    %swap3A = arith.constant 0 : index
    %swap3A_42 = arith.constant 0 : index
    %swap3A_43 = vector.load %arg8[%swap3A, %swap3A_42] : memref<64x1xf32, #tpu.memory_space<vmem>>, vector<64x1xf32>
    tpu.vector_store %arg8[%swap3A, %swap3A_42], %add3A_41 {strides = array<i32>} : memref<64x1xf32, #tpu.memory_space<vmem>>, vector<64x1xf32>,
    return
  }
}

</mosaic_0001>

<sc_bundles>
// kernel: kernel.11.cloned.1.call-start
scs
__scs_entry_jumppad:
0x0: {  	(pc) =	sbr.rel $0x88, $3  }
0x1: {  	(tag) =	ssettag $0x0;
	lr =	simm.s32 $0x1  }
0x2: {  	[smem:$0x3F98] =	sst lr;
	_ =	strace $0xD0000000  }
0x3: {  	_ = 	snop  }
0x4: {  	_ = 	snop  }
0x5: {  	_ = 	snop  }
0x6: {  	_ = 	snop  }
0x7: {  	_ = 	snop  }
__scs_overlays_trampoline_lowered:
0x8: {  	[smem:$0x3FA7] =	sst s0  }
0x9: {  	[smem:$0x3FA8] =	sst s1  }
0xa: {  	[smem:$0x3FA9] =	sst s2  }
0xb: {  	[smem:$0x3FAA] =	sst s3  }
0xc: {  	[smem:$0x3FAB] =	sst s4  }
0xd: {  	[smem:$0x3FAC] =	sst s5  }
0xe: {  	[smem:$0x3FAD] =	sst s6  }
0xf: {  	[smem:$0x3FAE] =	sst s7  }
0x10: {  	[smem:$0x3FAF] =	sst s8  }
0x11: {  	[smem:$0x3FB0] =	sst s9;
	s0 =	simm.s32 @!p0 $0x0  }
0x12: {  	s1 =	sld [smem:$0x3F96];
	s0 =	simm.s32 @p0 $0x1  }
0x13: {  	[smem:$0x3FB1] =	sst s0;
	s0 =	simm.s32 @!p1 $0x0  }
0x14: {  	s2 =	sld [smem:$0x3F95];
	s0 =	simm.s32 @p1 $0x1  }
0x15: {  	[smem:$0x3FB2] =	sst s0;
	s0 =	simm.s32 @!p2 $0x0  }
0x16: {  	s3 =	sld [smem:$0x3FDB];
	s0 =	simm.s32 @p2 $0x1  }
0x17: {  	s4 =	simm.s32 $0x1BF5;
	[smem:$0x3FB4] =	sst s0  }
0x18: {  	s0 =	sld [smem:$0x3F97];
	_ =	swait.ge [sflag:s4], $0x0  }
0x19: {  	s7 =	sld [smem:$0x3F98]  }
0x1a: {  	s8 =	sadd.s32 $0xFFFFE003, lr  }
0x1b: {  	s9 =	sadd.s32 $0xFFFFFEF7, lr;
	s5 =	simm.s32 $0xFFFFFFFF;
	p2 =	slt.u32 s8, $0xFFFFF086  }
0x1c: {  	p1 =	slt.u32 s9, $0xF7A;
	s5 =	simm.s32 @!p2 $0x0  }
0x1d: {  	s5 =	simm.s32 @p1 $0x1;
	p0 =	seq.s32 s7, s2  }
0x1e: {  	s7 =	smul.u32 @!p0 $0xF7A, s2;
	p2 =	seq.s32 @!p0 s5, $0x0  }
0x1f: {  	s9 =	smul.u32 $0xF7A, s1;
	s8 =	simm.s32 @!p0 $0x1BF5;
	p2 =	por !p2, p0  }
0x20: {  	[sflag:s8] =	ssyncset.s32 @!p0 $0xFFFFF086;
	s6 =	sadd.s32 @!p0 s3, s7;
	s7 =	simm.s32 @!p0 $0x108  }
0x21: {  	s3 =	sadd.s32 s3, s9;
	s6 =	sadd.s32 @!p0 $0x88, s6;
	s7 =	simm.s32 @p2 $0x1082  }
0x22: {  	[simem:s7], [sflag:s8] =	dma.local @!p0 [hbm:s6], $0xF7A  }
0x23: {  	s9 =	sor.u32 $0xD0000000, s2;
	s6 =	simm.s32 $0x108;
	_ =	swait.ge @!p0 [sflag:s8], $0x0  }
0x24: {  	s3 =	sadd.s32 $0x88, s3;
	s6 =	simm.s32 @!p1 $0x1082;
	[sflag:s4] =	ssyncset.s32 $0xFFFFF086  }
0x25: {  	[simem:s6], [sflag:s4] =	dma.local [hbm:s3], $0xF7A  }
0x26: {  	[smem:$0x3F98] =	sst s1;
	(tag) =	ssettag s2;
	_ =	strace s9  }
0x27: {  	s1 =	sld [smem:$0x3FA8]  }
0x28: {  	s2 =	sld [smem:$0x3FA9]  }
0x29: {  	s4 =	sld [smem:$0x3FAB]  }
0x2a: {  	p0 =	seq.s32 s5, $0x0;
	s5 =	sld [smem:$0x3FAC]  }
0x2b: {  	s6 =	sld [smem:$0x3FAD]  }
0x2c: {  	s7 =	sld [smem:$0x3FAE]  }
0x2d: {  	s3 =	simm.s32 $0x108;
	s8 =	sld [smem:$0x3FAF]  }
0x2e: {  	s3 =	simm.s32 @!p0 $0x1082;
	s9 =	sld [smem:$0x3FB0]  }
0x2f: {  	lr =	sadd.s32 s0, s3;
	s0 =	sld [smem:$0x3FA7]  }
0x30: {  	s3 =	sld [smem:$0x3FAA]  }
0x31: {  	[smem:$0x3FB3] =	sst s10  }
0x32: {  	s10 =	sld [smem:$0x3FB1];
	_ =	sdelay $0x3  }
0x33: {  	p0 =	seq.s32 s10, $0x1;
	s10 =	sld [smem:$0x3FB3];
	_ =	sdelay $0x3  }
0x34: {  	[smem:$0x3FB3] =	sst s10  }
0x35: {  	s10 =	sld [smem:$0x3FB2];
	_ =	sdelay $0x3  }
0x36: {  	p1 =	seq.s32 s10, $0x1;
	s10 =	sld [smem:$0x3FB3];
	_ =	sdelay $0x3  }
0x37: {  	[smem:$0x3FB3] =	sst s10  }
0x38: {  	s10 =	sld [smem:$0x3FB4]  }
0x39: {  	_ = 	snop;
	(pc) =	sbr.ind lr, $3  }
0x3a: {  	_ = 	snop  }
0x3b: {  	_ = 	snop  }
0x3c: {  	p2 =	seq.s32 s10, $0x1;
	s10 =	sld [smem:$0x3FB3]  }
0x3d: {  	_ =	shalt  }
0x3e: {  	_ =	shalt  }
0x3f: {  	_ =	shalt  }
0x40: {  	_ =	shalt  }
0x41: {  	_ =	shalt  }
0x42: {  	_ =	shalt  }
0x43: {  	_ =	shalt  }
0x44: {  	_ =	shalt  }
0x45: {  	_ =	shalt  }
0x46: {  	_ =	shalt  }
0x47: {  	_ =	shalt  }
0x48: {  	_ =	shalt  }
0x49: {  	_ =	shalt  }
0x4a: {  	_ =	shalt  }
0x4b: {  	_ =	shalt  }
0x4c: {  	_ =	shalt  }
0x4d: {  	_ =	shalt  }
0x4e: {  	_ =	shalt  }
0x4f: {  	_ =	shalt  }
0x50: {  	_ =	shalt  }
0x51: {  	_ =	shalt  }
0x52: {  	_ =	shalt  }
0x53: {  	_ =	shalt  }
0x54: {  	_ =	shalt  }
0x55: {  	_ =	shalt  }
0x56: {  	_ =	shalt  }
0x57: {  	_ =	shalt  }
0x58: {  	_ =	shalt  }
0x59: {  	_ =	shalt  }
0x5a: {  	_ =	shalt  }
0x5b: {  	_ =	shalt  }
0x5c: {  	_ =	shalt  }
0x5d: {  	_ =	shalt  }
0x5e: {  	_ =	shalt  }
0x5f: {  	_ =	shalt  }
0x60: {  	_ =	shalt  }
0x61: {  	_ =	shalt  }
0x62: {  	_ =	shalt  }
0x63: {  	_ =	shalt  }
0x64: {  	_ =	shalt  }
0x65: {  	_ =	shalt  }
0x66: {  	_ =	shalt  }
0x67: {  	_ =	shalt  }
0x68: {  	_ =	shalt  }
0x69: {  	_ =	shalt  }
0x6a: {  	_ =	shalt  }
0x6b: {  	_ =	shalt  }
0x6c: {  	_ =	shalt  }
0x6d: {  	_ =	shalt  }
0x6e: {  	_ =	shalt  }
0x6f: {  	_ =	shalt  }
0x70: {  	_ =	shalt  }
0x71: {  	_ =	shalt  }
0x72: {  	_ =	shalt  }
0x73: {  	_ =	shalt  }
0x74: {  	_ =	shalt  }
0x75: {  	_ =	shalt  }
0x76: {  	_ =	shalt  }
0x77: {  	_ =	shalt  }
0x78: {  	_ =	shalt  }
0x79: {  	_ =	shalt  }
0x7a: {  	_ =	shalt  }
0x7b: {  	_ =	shalt  }
0x7c: {  	_ =	shalt  }
0x7d: {  	_ =	shalt  }
0x7e: {  	_ =	shalt  }
0x7f: {  	_ =	shalt  }
0x80: {  	_ =	shalt  }
0x81: {  	_ =	shalt  }
0x82: {  	_ =	shalt  }
0x83: {  	_ =	shalt  }
0x84: {  	_ =	shalt  }
0x85: {  	_ =	shalt  }
0x86: {  	_ =	shalt  }
0x87: {  	_ =	shalt  }
.Lfunc_end0:
.L_simem_size_0:
called_computation.1_lowered:
.L_overlay_start_0:
0x88: {  	s2 =	sld [smem:$0x3FD9]  }
0x89: {  	s3 =	sld [smem:$0x3FFE];
	_ =	sdelay $0x1  }
0x8a: {  	s1 =	srdreg.scid  }
0x8b: {  	s0 =	sand.u32 $0x1, s1  }
0x8c: {  	s16 =	sshll.u32 s0, $0xA;
	s2 =	sadd.s32 s3, s2  }
0x8d: {  	s2 =	sadd.s32 s2, s16  }
0x8e: {  	[smem:$0x3FBF] =	sst s2  }
0x8f: {  	_ = 	snop  }
0x90: {  	(tm) =	ssettm $0x1  }
0x91: {  	s17 =	sld [smem:$0x3FFB];
	_ =	sdelay $0x3  }
0x92: {  	_ =	strace s17  }
0x93: {  	s2 =	sld [smem:$0x3FFC];
	_ =	sdelay $0x3  }
0x94: {  	_ =	strace s2  }
0x95: {  	s2 =	sld [smem:$0x3FFD];
	_ =	sdelay $0x3  }
0x96: {  	_ =	strace s2  }
0x97: {  	_ =	strace $0x8FFFFFFF  }
0x98: {  	s18 =	sld [smem:$0x3FDB];
	_ =	sdelay $0x1  }
0x99: {  	s19 =	simm.s32 $_scs_section_size  }
0x9a: {  	s4 =	simm.s32 $_size__tile_overlayer_lowered;
	s5 =	simm.s32 $_tile_overlayer_lowered  }
0x9b: {  	s22 =	simm.s32 $0x1BFF;
	s21 =	sshll.u32 s5, $0x1;
	s2 =	sadd.s32 s19, s18  }
0x9c: {  	s6 =	simm.s32 $0x0;
	s20 =	sshll.u32 s4, $0x1;
	s4 =	sadd.s32 s21, s2  }
0x9d: {  	[timem:s6], [sflag:s22] =	dma.local [hbm:s4], s20  }
0x9e: {  	_ =	swait.ge [sflag:s22], s20  }
0x9f: {  	s3 =	ssub.s32 $0x0, s20;
	[sflag:s22] =	ssyncset.done $0x0  }
0xa0: {  	[sflag:s22] =	ssyncadd.s32 s3;
	_ =	sdelay $0x1  }
0xa1: {  	s23 =	simm.s32 $0x1B8B  }
0xa2: {  	_ =	swait.ge [sflag:s23], $0x1  }
0xa3: {  	[sflag:s23] =	ssyncset.done $0x0  }
0xa4: {  	s25 =	simm.s32 $0x1B8E;
	s24 =	sld [smem:$0x3FFE];
	[sflag:s23] =	ssyncadd.s32 $0xFFFFFFFF  }
0xa5: {  	s26 =	simm.s32 $execute0_lowered;
	[smem:$0x3FD2] =	sst s25  }
0xa6: {  	s4 =	sshll.u32 s26, $0x1;
	_ =	strace $0x80000049;
	[dreg:$0x1] =	wrdreg $0xFFFFFFFF  }
0xa7: {  	s28 =	simm.s32 $_size_execute0_lowered;
	s2 =	sadd.s32 s2, s4;
	[dreg:$0x0] =	wrdreg $0x0  }
0xa8: {  	s4 =	sshll.u32 s28, $0x1;
	[dreg:$0x2] =	wrdreg s2  }
0xa9: {  	[dreg:$0x3] =	wrdreg s4  }
0xaa: {  	[dreg:$0x4] =	wrdreg $0xC0  }
0xab: {  	_ =	task [dreg:s6], $0x5FFFF  }
0xac: {  	[dreg:$0x1] =	wrdreg $0xFFFFFFFF  }
0xad: {  	[dreg:$0x0] =	wrdreg $0x60  }
0xae: {  	[dreg:$0x2] =	wrdreg s24  }
0xaf: {  	[dreg:$0x3] =	wrdreg $0x98000  }
0xb0: {  	[dreg:$0x4] =	wrdreg $0x9  }
0xb1: {  	_ =	task.clear_ibuf [dreg:s6], $0x5FFFF;
	_ =	strace $0x90000049  }
0xb2: {  	s29 =	simm.s32 $0x9;
	_ =	strace $0x8000004B  }
0xb3: {  	_ =	swait.ge [sflag:s29], $0x1  }
0xb4: {  	[sflag:s29] =	ssyncadd.s32 $0xFFFFFFFF  }
0xb5: {  	_ =	strace $0x9000004B  }
0xb6: {  	_ =	sfence  }
0xb7: {  	s30 =	sld [smem:$0x0];
	_ =	sdelay $0x2  }
0xb8: {  	s31 =	sshll.u32 s1, $0xD;
	s1 =	sshrl.u32 s1, $0x2  }
0xb9: {  	s3 =	sand.u32 $0x4000, s31;
	s1 =	sadd.s32 s1, s30  }
0xba: {  	s0 =	sor.u32 s3, s0;
	s1 =	sshll.u32 s1, $0x11  }
0xbb: {  	s0 =	sor.u32 s1, s0  }
0xbc: {  	s0 =	sadd.s32 $0x8F2B, s0  }
0xbd: {  	[sflag:s0] =	ssyncadd.remote.s32 $0x1  }
0xbe: {  	_ =	sfence.sel $0xFFFF  }
0xbf: {  	[dreg:$0x0] =	wrdreg $0xFFFFFFFF;
	(pc) =	sbr.abs _section_cstart, $3  }
0xc0: {  	[dreg:$0x1] =	wrdreg $0xFFFFFFFF  }
0xc1: {  	_ =	task.clear_ibuf [dreg:s6], $0x2FFFF;
	_ =	strace $0x9FFFFFFF  }
0xc2: {  	(tm) =	ssettm $0x7FFFFFFF  }
0xc3: {  	_ =	shalt  }
tec
execute0_lowered:
.L_overlay_start_1:
0x0: {  	(tag) =	ssettag $0x1  }
0x1: {  	s5 =	rddreg [dreg:$0x0]  }
0x2: {  	s2 =	rddreg [dreg:$0x1];
	s3 =	srdreg.scid  }
0x3: {  	s0 =	rddreg [dreg:$0x2];
	s1 =	stileid.u32  }
0x4: {  	s12 =	simm.s32 $0x2800;
	s13 =	simm.s32 $0x80;
	s14 =	simm.s32 $0x5000  }
0x5: {  	s15 =	simm.s32 $0x1;
	s6 =	sand.u32 $0x1, s3;
	s8 =	smul.u32 $0x14000, s1  }
0x6: {  	s3 =	simm.s32 $0x0;
	s4 =	sshll.u32 s1, $0x1;
	s29 =	smul.u32 $0x50000, s1  }
0x7: {  	s16 =	sshll.u32 s1, $0x6;
	s7 =	smul.u32 $0x140000, s6;
	[smem:$0x7FF] =	sst s3  }
0x8: {  	s4 =	sor.u32 s6, s4;
	s6 =	ssub.s32 $0x2, s6;
	s16 =	sor.u32 $0x1C02, s16  }
0x9: {  	_ =	strace $0x8000004A;
	s9 =	smul.u32 $0x500, s4;
	s4 =	sadd.s32 $0xDA00, s5  }
0xa: {  	s30 =	sshrl.u32 s6, $0x1;
	s31 =	sshrl.u32 s29, $0x2;
	s7 =	sadd.s32 s8, s7  }
0xb: {  	s11 =	ssub.s32 s6, s30;
	s9 =	sadd.s32 s9, s5;
	s7 =	sshrl.u32 s7, $0x3  }
0xc: {  	s10 =	sadd.s32 s7, s5;
	s5 =	sadd.s32 s31, s2;
	s6 =	sadd.s32 $0x5DA00, s9  }
0xd: {  	s7 =	sadd.s32 $0x3A00, s9;
	s9 =	smax.u32 s11, $0x1;
	s11 =	simm.s32 $0x2  }
0xe: {  	v0 =	vimm.f32 $0.0e+00;
	s8 =	sadd.s32 $0x67A00, s10;
	s10 =	simm.s32 $0x9000;
	s17 =	sshrl.u32 s5, $0x3  }
.LBB2_1:
0xf: {  	s18 =	simm.s32 $0x0;
	s19 =	simm.s32 $0x0  }
.LBB2_2:
0x10: {  	p0 =	sne.s32 s19, $0x1FC0  }
.Ltmp0:
0x11: {  	_ = 	snop;
	(pc) =	sbr.rel @p0 .LBB2_2-.Ltmp0, $4  }
0x12: {  	s20 =	sand.u32 $0x1E00, s19  }
0x13: {  	s21 =	sand.u32 $0x70, s18;
	s20 =	sshrl.u32 s20, $0x2  }
0x14: {  	s20 =	sor.u32 s21, s20  }
0x15: {  	s18 =	sadd.s32 $0x10, s18;
	s19 =	sadd.s32 $0x40, s19;
	[tilespmem:s20+$0x9000] =	vst v0  }
0x16: {  	s18 =	sadd.s32 $0x0, s5  }
0x17: {  	[spmem:s18] =	stream.linear.scatter [tilespmem:s10], [sflag:$0x2], $0x800, $0x38;
	[tilespmem:$0x1D800] =	vst v63  }
0x18: {  	s18 =	simm.s32 $0x2000;
	_ =	swait.ge [sflag:s11], $0x800  }
.LBB2_4:
0x19: {  	s19 =	sshra.s32 s18, $0x2;
	[sflag:s11] =	ssyncset.done $0x0;
	p0 =	sne.s32 s18, $0x4E000  }
.Ltmp1:
0x1a: {  	s19 =	sadd.s32 s19, s5;
	[sflag:s11] =	ssyncadd.s32 $0xFFFFF800;
	(pc) =	sbr.rel @p0 .LBB2_4-.Ltmp1, $3  }
0x1b: {  	[spmem:s19] =	stream.linear.scatter [tilespmem:s10], [sflag:$0x2], $0x800, $0x38;
	[tilespmem:$0x1D800] =	vst v63  }
0x1c: {  	s18 =	sadd.s32 $0x2000, s18;
	_ =	sdelay $0x1  }
0x1d: {  	_ =	swait.ge [sflag:s11], $0x800  }
0x1e: {  	[sflag:s11] =	ssyncset.done $0x0  }
0x1f: {  	s18 =	simm.s32 $0x0;
	[sflag:s11] =	ssyncadd.s32 $0xFFFFF800  }
0x20: {  	[tilespmem:s18], [sflag:$0x2] =	stream.linear.gather [hbm4b:s6+s18], $0x2780, $0x38;
	[tilespmem:$0x1D800] =	vst v63  }
0x21: {  	_ =	swait.ge [sflag:s11], $0x2780  }
0x22: {  	[sflag:s11] =	ssyncset.done $0x0  }
0x23: {  	[sflag:s11] =	ssyncadd.s32 $0xFFFFD880  }
0x24: {  	[tilespmem:s12], [sflag:$0x2] =	stream.linear.gather [hbm4b:s7+s18], $0x2780, $0x38;
	[tilespmem:$0x1D800] =	vst v63  }
0x25: {  	_ =	swait.ge [sflag:s11], $0x2780  }
0x26: {  	[sflag:s11] =	ssyncset.done $0x0  }
0x27: {  	[sflag:s11] =	ssyncadd.s32 $0xFFFFD880  }
0x28: {  	s30 =	simm.s32 $0x0;
	[bflag:$0x0] =	sbarrier.arrive $0xFFFF  }
0x29: {  	[tilespmem:s14], [sflag:$0x1] =	stream.indirect.gather [hbm4b:s4+s13], $0x80, s30, s13, $0xb8;
	[tilespmem:$0x1D800] =	vst v63  }
0x2a: {  	_ =	swait.ge [sflag:s15], $0x4000  }
0x2b: {  	[sflag:s15] =	ssyncset.done $0x0  }
0x2c: {  	s31 =	simm.s32 $0x2800;
	[sflag:s15] =	ssyncadd.s32 $0xFFFFC000  }
0x2d: {  	[spmem:s2] =	stream.indirect.scatter.add.f32 [tilespmem:s14], [sflag:$0x2], $0x80, s31, s13, $0xb8;
	[tilespmem:$0x1D800] =	vst v63  }
0x2e: {  	_ =	swait.ge [sflag:s11], $0x4000  }
0x2f: {  	s19 =	simm.s32 $0x400;
	s18 =	simm.s32 $0x200;
	[sflag:s11] =	ssyncset.done $0x0  }
.LBB2_6:
0x30: {  	s20 =	sshra.s32 s18, $0x2  }
0x31: {  	[sflag:s11] =	ssyncadd.s32 $0xFFFFC000;
	s18 =	smov.u32 s19;
	s21 =	sadd.s32 $0x200, s19  }
0x32: {  	[tilespmem:s14], [sflag:$0x1] =	stream.indirect.gather [hbm4b:s4+s13], $0x80, s20, s13, $0xb8;
	[tilespmem:$0x1D800] =	vst v63  }
0x33: {  	p0 =	sne.s32 s19, $0x9C00;
	_ =	swait.ge [sflag:s15], $0x4000  }
.Ltmp2:
0x34: {  	[sflag:s15] =	ssyncset.done $0x0;
	(pc) =	sbr.rel @p0 .LBB2_6-.Ltmp2, $4  }
0x35: {  	s19 =	sadd.s32 $0x2800, s20;
	[sflag:s15] =	ssyncadd.s32 $0xFFFFC000  }
0x36: {  	[spmem:s2] =	stream.indirect.scatter.add.f32 [tilespmem:s14], [sflag:$0x2], $0x80, s19, s13, $0xb8;
	[tilespmem:$0x1D800] =	vst v63  }
0x37: {  	_ =	swait.ge [sflag:s11], $0x4000  }
0x38: {  	s19 =	smov.u32 s21;
	[sflag:s11] =	ssyncset.done $0x0  }
0x39: {  	s18 =	sshra.s32 s18, $0x2;
	[sflag:s11] =	ssyncadd.s32 $0xFFFFC000  }
0x3a: {  	[tilespmem:s14], [sflag:$0x1] =	stream.indirect.gather [hbm4b:s4+s13], $0x80, s18, s13, $0xb8;
	[tilespmem:$0x1D800] =	vst v63  }
0x3b: {  	_ =	swait.ge [sflag:s15], $0x4000  }
0x3c: {  	[sflag:s15] =	ssyncset.done $0x0  }
0x3d: {  	s18 =	sadd.s32 $0x2800, s18;
	[sflag:s15] =	ssyncadd.s32 $0xFFFFC000  }
0x3e: {  	[spmem:s2] =	stream.indirect.scatter.add.f32 [tilespmem:s14], [sflag:$0x2], $0x80, s18, s13, $0xb8;
	[tilespmem:$0x1D800] =	vst v63  }
0x3f: {  	_ =	swait.ge [sflag:s11], $0x4000  }
0x40: {  	s3 =	sadd.s32 $0x1, s3;
	[sflag:s11] =	ssyncset.done $0x0  }
0x41: {  	p0 =	sne.s32 s3, s9;
	[sflag:s11] =	ssyncadd.s32 $0xFFFFC000  }
.Ltmp3:
0x42: {  	[bflag:$0x0] =	sbarrier.arrive $0xFFFF;
	(pc) =	sbr.rel @p0 .LBB2_1-.Ltmp3, $4  }
0x43: {  	[hbm:s8], [sflag:s16] =	dma.local [spmem:s17], $0x2800  }
0x44: {  	_ =	swait.ge [sflag:s11], $0x2800  }
0x45: {  	[sflag:s11] =	ssyncset.done $0x0  }
0x46: {  	[sflag:s11] =	ssyncadd.s32 $0xFFFFD800  }
0x47: {  	_ =	sfence.sel $0x180000  }
0x48: {  	[bflag:$0x0] =	sbarrier.arrive $0xFFFF  }
0x49: {  	p0 =	sne.s32 s1, $0x0;
	_ =	strace $0x9000004A  }
0x4a: {  	s0 =	sadd.s32 @!p0 $0x100000, s0;
	[bflag:$0x2] =	sbarrier.arrive $0xFFFF  }
0x4b: {  	[sflag:s0] =	ssyncadd.tile.s32 @!p0 $0x1;
	_ =	shalt  }
.Lfunc_end2:
_tile_overlayer_lowered:
.L_overlay_start_2:
0x4c: {  	(tag) =	ssettag $0x2  }
0x4d: {  	s0 =	rddreg [dreg:$0x0];
	s2 =	stileid.u32  }
0x4e: {  	s1 =	rddreg [dreg:$0x1];
	p0 =	sne.s32 s2, $0x0  }
0x4f: {  	s3 =	rddreg [dreg:$0x2];
	[bflag:$0x3] =	sbarrier.arrive $0xFFFF;
	s2 =	simm.s32 @!p0 $0x1C02  }
0x50: {  	[timem:s3], [sflag:s2] =	dma.local @!p0 [hbm:s0], s1  }
0x51: {  	s0 =	simm.s32 @!p0 $0x2  }
0x52: {  	_ =	swait.ge @!p0 [sflag:s0], s1  }
0x53: {  	s1 =	ssub.s32 @!p0 $0x0, s1;
	[sflag:s0] =	ssyncset.done @!p0 $0x0  }
0x54: {  	[sflag:s0] =	ssyncadd.s32 @!p0 s1  }
0x55: {  	[bflag:$0x3] =	sbarrier.arrive $0xFFFF  }
0x56: {  	_ =	shalt  }

// kernel: kernel.14.cloned.1.call-start
scs
__scs_entry_jumppad:
0x0: {  	(pc) =	sbr.rel $0x88, $3  }
0x1: {  	(tag) =	ssettag $0x0;
	lr =	simm.s32 $0x1  }
0x2: {  	[smem:$0x3F98] =	sst lr;
	_ =	strace $0xD0000000  }
0x3: {  	_ = 	snop  }
0x4: {  	_ = 	snop  }
0x5: {  	_ = 	snop  }
0x6: {  	_ = 	snop  }
0x7: {  	_ = 	snop  }
__scs_overlays_trampoline_lowered:
0x8: {  	[smem:$0x3FA7] =	sst s0  }
0x9: {  	[smem:$0x3FA8] =	sst s1  }
0xa: {  	[smem:$0x3FA9] =	sst s2  }
0xb: {  	[smem:$0x3FAA] =	sst s3  }
0xc: {  	[smem:$0x3FAB] =	sst s4  }
0xd: {  	[smem:$0x3FAC] =	sst s5  }
0xe: {  	[smem:$0x3FAD] =	sst s6  }
0xf: {  	[smem:$0x3FAE] =	sst s7  }
0x10: {  	[smem:$0x3FAF] =	sst s8  }
0x11: {  	[smem:$0x3FB0] =	sst s9;
	s0 =	simm.s32 @!p0 $0x0  }
0x12: {  	s1 =	sld [smem:$0x3F96];
	s0 =	simm.s32 @p0 $0x1  }
0x13: {  	[smem:$0x3FB1] =	sst s0;
	s0 =	simm.s32 @!p1 $0x0  }
0x14: {  	s2 =	sld [smem:$0x3F95];
	s0 =	simm.s32 @p1 $0x1  }
0x15: {  	[smem:$0x3FB2] =	sst s0;
	s0 =	simm.s32 @!p2 $0x0  }
0x16: {  	s3 =	sld [smem:$0x3FDB];
	s0 =	simm.s32 @p2 $0x1  }
0x17: {  	s4 =	simm.s32 $0x1BF5;
	[smem:$0x3FB4] =	sst s0  }
0x18: {  	s0 =	sld [smem:$0x3F97];
	_ =	swait.ge [sflag:s4], $0x0  }
0x19: {  	s7 =	sld [smem:$0x3F98]  }
0x1a: {  	s8 =	sadd.s32 $0xFFFFE003, lr  }
0x1b: {  	s9 =	sadd.s32 $0xFFFFFEF7, lr;
	s5 =	simm.s32 $0xFFFFFFFF;
	p2 =	slt.u32 s8, $0xFFFFF086  }
0x1c: {  	p1 =	slt.u32 s9, $0xF7A;
	s5 =	simm.s32 @!p2 $0x0  }
0x1d: {  	s5 =	simm.s32 @p1 $0x1;
	p0 =	seq.s32 s7, s2  }
0x1e: {  	s7 =	smul.u32 @!p0 $0xF7A, s2;
	p2 =	seq.s32 @!p0 s5, $0x0  }
0x1f: {  	s9 =	smul.u32 $0xF7A, s1;
	s8 =	simm.s32 @!p0 $0x1BF5;
	p2 =	por !p2, p0  }
0x20: {  	[sflag:s8] =	ssyncset.s32 @!p0 $0xFFFFF086;
	s6 =	sadd.s32 @!p0 s3, s7;
	s7 =	simm.s32 @!p0 $0x108  }
0x21: {  	s3 =	sadd.s32 s3, s9;
	s6 =	sadd.s32 @!p0 $0x88, s6;
	s7 =	simm.s32 @p2 $0x1082  }
0x22: {  	[simem:s7], [sflag:s8] =	dma.local @!p0 [hbm:s6], $0xF7A  }
0x23: {  	s9 =	sor.u32 $0xD0000000, s2;
	s6 =	simm.s32 $0x108;
	_ =	swait.ge @!p0 [sflag:s8], $0x0  }
0x24: {  	s3 =	sadd.s32 $0x88, s3;
	s6 =	simm.s32 @!p1 $0x1082;
	[sflag:s4] =	ssyncset.s32 $0xFFFFF086  }
0x25: {  	[simem:s6], [sflag:s4] =	dma.local [hbm:s3], $0xF7A  }
0x26: {  	[smem:$0x3F98] =	sst s1;
	(tag) =	ssettag s2;
	_ =	strace s9  }
0x27: {  	s1 =	sld [smem:$0x3FA8]  }
0x28: {  	s2 =	sld [smem:$0x3FA9]  }
0x29: {  	s4 =	sld [smem:$0x3FAB]  }
0x2a: {  	p0 =	seq.s32 s5, $0x0;
	s5 =	sld [smem:$0x3FAC]  }
0x2b: {  	s6 =	sld [smem:$0x3FAD]  }
0x2c: {  	s7 =	sld [smem:$0x3FAE]  }
0x2d: {  	s3 =	simm.s32 $0x108;
	s8 =	sld [smem:$0x3FAF]  }
0x2e: {  	s3 =	simm.s32 @!p0 $0x1082;
	s9 =	sld [smem:$0x3FB0]  }
0x2f: {  	lr =	sadd.s32 s0, s3;
	s0 =	sld [smem:$0x3FA7]  }
0x30: {  	s3 =	sld [smem:$0x3FAA]  }
0x31: {  	[smem:$0x3FB3] =	sst s10  }
0x32: {  	s10 =	sld [smem:$0x3FB1];
	_ =	sdelay $0x3  }
0x33: {  	p0 =	seq.s32 s10, $0x1;
	s10 =	sld [smem:$0x3FB3];
	_ =	sdelay $0x3  }
0x34: {  	[smem:$0x3FB3] =	sst s10  }
0x35: {  	s10 =	sld [smem:$0x3FB2];
	_ =	sdelay $0x3  }
0x36: {  	p1 =	seq.s32 s10, $0x1;
	s10 =	sld [smem:$0x3FB3];
	_ =	sdelay $0x3  }
0x37: {  	[smem:$0x3FB3] =	sst s10  }
0x38: {  	s10 =	sld [smem:$0x3FB4]  }
0x39: {  	_ = 	snop;
	(pc) =	sbr.ind lr, $3  }
0x3a: {  	_ = 	snop  }
0x3b: {  	_ = 	snop  }
0x3c: {  	p2 =	seq.s32 s10, $0x1;
	s10 =	sld [smem:$0x3FB3]  }
0x3d: {  	_ =	shalt  }
0x3e: {  	_ =	shalt  }
0x3f: {  	_ =	shalt  }
0x40: {  	_ =	shalt  }
0x41: {  	_ =	shalt  }
0x42: {  	_ =	shalt  }
0x43: {  	_ =	shalt  }
0x44: {  	_ =	shalt  }
0x45: {  	_ =	shalt  }
0x46: {  	_ =	shalt  }
0x47: {  	_ =	shalt  }
0x48: {  	_ =	shalt  }
0x49: {  	_ =	shalt  }
0x4a: {  	_ =	shalt  }
0x4b: {  	_ =	shalt  }
0x4c: {  	_ =	shalt  }
0x4d: {  	_ =	shalt  }
0x4e: {  	_ =	shalt  }
0x4f: {  	_ =	shalt  }
0x50: {  	_ =	shalt  }
0x51: {  	_ =	shalt  }
0x52: {  	_ =	shalt  }
0x53: {  	_ =	shalt  }
0x54: {  	_ =	shalt  }
0x55: {  	_ =	shalt  }
0x56: {  	_ =	shalt  }
0x57: {  	_ =	shalt  }
0x58: {  	_ =	shalt  }
0x59: {  	_ =	shalt  }
0x5a: {  	_ =	shalt  }
0x5b: {  	_ =	shalt  }
0x5c: {  	_ =	shalt  }
0x5d: {  	_ =	shalt  }
0x5e: {  	_ =	shalt  }
0x5f: {  	_ =	shalt  }
0x60: {  	_ =	shalt  }
0x61: {  	_ =	shalt  }
0x62: {  	_ =	shalt  }
0x63: {  	_ =	shalt  }
0x64: {  	_ =	shalt  }
0x65: {  	_ =	shalt  }
0x66: {  	_ =	shalt  }
0x67: {  	_ =	shalt  }
0x68: {  	_ =	shalt  }
0x69: {  	_ =	shalt  }
0x6a: {  	_ =	shalt  }
0x6b: {  	_ =	shalt  }
0x6c: {  	_ =	shalt  }
0x6d: {  	_ =	shalt  }
0x6e: {  	_ =	shalt  }
0x6f: {  	_ =	shalt  }
0x70: {  	_ =	shalt  }
0x71: {  	_ =	shalt  }
0x72: {  	_ =	shalt  }
0x73: {  	_ =	shalt  }
0x74: {  	_ =	shalt  }
0x75: {  	_ =	shalt  }
0x76: {  	_ =	shalt  }
0x77: {  	_ =	shalt  }
0x78: {  	_ =	shalt  }
0x79: {  	_ =	shalt  }
0x7a: {  	_ =	shalt  }
0x7b: {  	_ =	shalt  }
0x7c: {  	_ =	shalt  }
0x7d: {  	_ =	shalt  }
0x7e: {  	_ =	shalt  }
0x7f: {  	_ =	shalt  }
0x80: {  	_ =	shalt  }
0x81: {  	_ =	shalt  }
0x82: {  	_ =	shalt  }
0x83: {  	_ =	shalt  }
0x84: {  	_ =	shalt  }
0x85: {  	_ =	shalt  }
0x86: {  	_ =	shalt  }
0x87: {  	_ =	shalt  }
.Lfunc_end0:
.L_simem_size_0:
called_computation.2_lowered:
.L_overlay_start_0:
0x88: {  	s2 =	sld [smem:$0x3FD9]  }
0x89: {  	s3 =	sld [smem:$0x3FFE];
	_ =	sdelay $0x1  }
0x8a: {  	s1 =	srdreg.scid  }
0x8b: {  	s0 =	sand.u32 $0x1, s1  }
0x8c: {  	s16 =	sshll.u32 s0, $0xA;
	s2 =	sadd.s32 s3, s2  }
0x8d: {  	s2 =	sadd.s32 s2, s16  }
0x8e: {  	[smem:$0x3FBF] =	sst s2  }
0x8f: {  	_ = 	snop  }
0x90: {  	(tm) =	ssettm $0x1  }
0x91: {  	s17 =	sld [smem:$0x3FFB];
	_ =	sdelay $0x3  }
0x92: {  	_ =	strace s17  }
0x93: {  	s2 =	sld [smem:$0x3FFC];
	_ =	sdelay $0x3  }
0x94: {  	_ =	strace s2  }
0x95: {  	s2 =	sld [smem:$0x3FFD];
	_ =	sdelay $0x3  }
0x96: {  	_ =	strace s2  }
0x97: {  	_ =	strace $0x8FFFFFFF  }
0x98: {  	s18 =	sld [smem:$0x3FDB];
	_ =	sdelay $0x1  }
0x99: {  	s19 =	simm.s32 $_scs_section_size  }
0x9a: {  	s4 =	simm.s32 $_size__tile_overlayer_lowered;
	s5 =	simm.s32 $_tile_overlayer_lowered  }
0x9b: {  	s22 =	simm.s32 $0x1BFF;
	s21 =	sshll.u32 s5, $0x1;
	s2 =	sadd.s32 s19, s18  }
0x9c: {  	s6 =	simm.s32 $0x0;
	s20 =	sshll.u32 s4, $0x1;
	s4 =	sadd.s32 s21, s2  }
0x9d: {  	[timem:s6], [sflag:s22] =	dma.local [hbm:s4], s20  }
0x9e: {  	_ =	swait.ge [sflag:s22], s20  }
0x9f: {  	s3 =	ssub.s32 $0x0, s20;
	[sflag:s22] =	ssyncset.done $0x0  }
0xa0: {  	[sflag:s22] =	ssyncadd.s32 s3;
	_ =	sdelay $0x1  }
0xa1: {  	s23 =	simm.s32 $0x1B8B  }
0xa2: {  	_ =	swait.ge [sflag:s23], $0x1  }
0xa3: {  	[sflag:s23] =	ssyncset.done $0x0  }
0xa4: {  	s25 =	simm.s32 $0x1B8E;
	s24 =	sld [smem:$0x3FFE];
	[sflag:s23] =	ssyncadd.s32 $0xFFFFFFFF  }
0xa5: {  	s26 =	simm.s32 $execute0_lowered;
	[smem:$0x3FD2] =	sst s25  }
0xa6: {  	s4 =	sshll.u32 s26, $0x1;
	_ =	strace $0x8000004C;
	[dreg:$0x1] =	wrdreg $0xFFFFFFFF  }
0xa7: {  	s28 =	simm.s32 $_size_execute0_lowered;
	s2 =	sadd.s32 s2, s4;
	[dreg:$0x0] =	wrdreg $0x0  }
0xa8: {  	s4 =	sshll.u32 s28, $0x1;
	[dreg:$0x2] =	wrdreg s2  }
0xa9: {  	[dreg:$0x3] =	wrdreg s4  }
0xaa: {  	[dreg:$0x4] =	wrdreg $0xC0  }
0xab: {  	_ =	task [dreg:s6], $0x5FFFF  }
0xac: {  	[dreg:$0x1] =	wrdreg $0xFFFFFFFF  }
0xad: {  	[dreg:$0x0] =	wrdreg $0x60  }
0xae: {  	[dreg:$0x2] =	wrdreg s24  }
0xaf: {  	[dreg:$0x3] =	wrdreg $0x98000  }
0xb0: {  	[dreg:$0x4] =	wrdreg $0x9  }
0xb1: {  	_ =	task.clear_ibuf [dreg:s6], $0x5FFFF;
	_ =	strace $0x9000004C  }
0xb2: {  	s29 =	simm.s32 $0x9;
	_ =	strace $0x8000004E  }
0xb3: {  	_ =	swait.ge [sflag:s29], $0x1  }
0xb4: {  	[sflag:s29] =	ssyncadd.s32 $0xFFFFFFFF  }
0xb5: {  	_ =	strace $0x9000004E  }
0xb6: {  	_ =	sfence  }
0xb7: {  	s30 =	sld [smem:$0x0];
	_ =	sdelay $0x2  }
0xb8: {  	s31 =	sshll.u32 s1, $0xD;
	s1 =	sshrl.u32 s1, $0x2  }
0xb9: {  	s3 =	sand.u32 $0x4000, s31;
	s1 =	sadd.s32 s1, s30  }
0xba: {  	s0 =	sor.u32 s3, s0;
	s1 =	sshll.u32 s1, $0x11  }
0xbb: {  	s0 =	sor.u32 s1, s0  }
0xbc: {  	s0 =	sadd.s32 $0x8F2B, s0  }
0xbd: {  	[sflag:s0] =	ssyncadd.remote.s32 $0x1  }
0xbe: {  	_ =	sfence.sel $0xFFFF  }
0xbf: {  	[dreg:$0x0] =	wrdreg $0xFFFFFFFF;
	(pc) =	sbr.abs _section_cstart, $3  }
0xc0: {  	[dreg:$0x1] =	wrdreg $0xFFFFFFFF  }
0xc1: {  	_ =	task.clear_ibuf [dreg:s6], $0x2FFFF;
	_ =	strace $0x9FFFFFFF  }
0xc2: {  	(tm) =	ssettm $0x7FFFFFFF  }
0xc3: {  	_ =	shalt  }
tec
execute0_lowered:
.L_overlay_start_1:
0x0: {  	(tag) =	ssettag $0x1  }
0x1: {  	s5 =	rddreg [dreg:$0x0]  }
0x2: {  	s2 =	rddreg [dreg:$0x1];
	s3 =	srdreg.scid  }
0x3: {  	s0 =	rddreg [dreg:$0x2];
	s1 =	stileid.u32  }
0x4: {  	s12 =	simm.s32 $0x2800;
	s13 =	simm.s32 $0x80;
	s14 =	simm.s32 $0x5000  }
0x5: {  	s15 =	simm.s32 $0x1;
	s6 =	sand.u32 $0x1, s3;
	s8 =	smul.u32 $0x14000, s1  }
0x6: {  	s3 =	simm.s32 $0x0;
	s4 =	sshll.u32 s1, $0x1;
	s29 =	smul.u32 $0x50000, s1  }
0x7: {  	s16 =	sshll.u32 s1, $0x6;
	s7 =	smul.u32 $0x140000, s6;
	[smem:$0x7FF] =	sst s3  }
0x8: {  	s4 =	sor.u32 s6, s4;
	s6 =	ssub.s32 $0x2, s6;
	s16 =	sor.u32 $0x1C02, s16  }
0x9: {  	_ =	strace $0x8000004D;
	s9 =	smul.u32 $0x500, s4;
	s4 =	sadd.s32 $0xDA00, s5  }
0xa: {  	s30 =	sshrl.u32 s6, $0x1;
	s31 =	sshrl.u32 s29, $0x2;
	s7 =	sadd.s32 s8, s7  }
0xb: {  	s11 =	ssub.s32 s6, s30;
	s9 =	sadd.s32 s9, s5;
	s7 =	sshrl.u32 s7, $0x3  }
0xc: {  	s10 =	sadd.s32 s7, s5;
	s5 =	sadd.s32 s31, s2;
	s6 =	sadd.s32 $0x5DA00, s9  }
0xd: {  	s7 =	sadd.s32 $0x3A00, s9;
	s9 =	smax.u32 s11, $0x1;
	s11 =	simm.s32 $0x2  }
0xe: {  	v0 =	vimm.f32 $0.0e+00;
	s8 =	sadd.s32 $0x67A00, s10;
	s10 =	simm.s32 $0x9000;
	s17 =	sshrl.u32 s5, $0x3  }
.LBB2_1:
0xf: {  	s18 =	simm.s32 $0x0;
	s19 =	simm.s32 $0x0  }
.LBB2_2:
0x10: {  	p0 =	sne.s32 s19, $0x1FC0  }
.Ltmp0:
0x11: {  	_ = 	snop;
	(pc) =	sbr.rel @p0 .LBB2_2-.Ltmp0, $4  }
0x12: {  	s20 =	sand.u32 $0x1E00, s19  }
0x13: {  	s21 =	sand.u32 $0x70, s18;
	s20 =	sshrl.u32 s20, $0x2  }
0x14: {  	s20 =	sor.u32 s21, s20  }
0x15: {  	s18 =	sadd.s32 $0x10, s18;
	s19 =	sadd.s32 $0x40, s19;
	[tilespmem:s20+$0x9000] =	vst v0  }
0x16: {  	s18 =	sadd.s32 $0x0, s5  }
0x17: {  	[spmem:s18] =	stream.linear.scatter [tilespmem:s10], [sflag:$0x2], $0x800, $0x38;
	[tilespmem:$0x1D800] =	vst v63  }
0x18: {  	s18 =	simm.s32 $0x2000;
	_ =	swait.ge [sflag:s11], $0x800  }
.LBB2_4:
0x19: {  	s19 =	sshra.s32 s18, $0x2;
	[sflag:s11] =	ssyncset.done $0x0;
	p0 =	sne.s32 s18, $0x4E000  }
.Ltmp1:
0x1a: {  	s19 =	sadd.s32 s19, s5;
	[sflag:s11] =	ssyncadd.s32 $0xFFFFF800;
	(pc) =	sbr.rel @p0 .LBB2_4-.Ltmp1, $3  }
0x1b: {  	[spmem:s19] =	stream.linear.scatter [tilespmem:s10], [sflag:$0x2], $0x800, $0x38;
	[tilespmem:$0x1D800] =	vst v63  }
0x1c: {  	s18 =	sadd.s32 $0x2000, s18;
	_ =	sdelay $0x1  }
0x1d: {  	_ =	swait.ge [sflag:s11], $0x800  }
0x1e: {  	[sflag:s11] =	ssyncset.done $0x0  }
0x1f: {  	s18 =	simm.s32 $0x0;
	[sflag:s11] =	ssyncadd.s32 $0xFFFFF800  }
0x20: {  	[tilespmem:s18], [sflag:$0x2] =	stream.linear.gather [hbm4b:s6+s18], $0x2780, $0x38;
	[tilespmem:$0x1D800] =	vst v63  }
0x21: {  	_ =	swait.ge [sflag:s11], $0x2780  }
0x22: {  	[sflag:s11] =	ssyncset.done $0x0  }
0x23: {  	[sflag:s11] =	ssyncadd.s32 $0xFFFFD880  }
0x24: {  	[tilespmem:s12], [sflag:$0x2] =	stream.linear.gather [hbm4b:s7+s18], $0x2780, $0x38;
	[tilespmem:$0x1D800] =	vst v63  }
0x25: {  	_ =	swait.ge [sflag:s11], $0x2780  }
0x26: {  	[sflag:s11] =	ssyncset.done $0x0  }
0x27: {  	[sflag:s11] =	ssyncadd.s32 $0xFFFFD880  }
0x28: {  	s30 =	simm.s32 $0x0;
	[bflag:$0x0] =	sbarrier.arrive $0xFFFF  }
0x29: {  	[tilespmem:s14], [sflag:$0x1] =	stream.indirect.gather [hbm4b:s4+s13], $0x80, s30, s13, $0xb8;
	[tilespmem:$0x1D800] =	vst v63  }
0x2a: {  	_ =	swait.ge [sflag:s15], $0x4000  }
0x2b: {  	[sflag:s15] =	ssyncset.done $0x0  }
0x2c: {  	s31 =	simm.s32 $0x2800;
	[sflag:s15] =	ssyncadd.s32 $0xFFFFC000  }
0x2d: {  	[spmem:s2] =	stream.indirect.scatter.add.f32 [tilespmem:s14], [sflag:$0x2], $0x80, s31, s13, $0xb8;
	[tilespmem:$0x1D800] =	vst v63  }
0x2e: {  	_ =	swait.ge [sflag:s11], $0x4000  }
0x2f: {  	s19 =	simm.s32 $0x400;
	s18 =	simm.s32 $0x200;
	[sflag:s11] =	ssyncset.done $0x0  }
.LBB2_6:
0x30: {  	s20 =	sshra.s32 s18, $0x2  }
0x31: {  	[sflag:s11] =	ssyncadd.s32 $0xFFFFC000;
	s18 =	smov.u32 s19;
	s21 =	sadd.s32 $0x200, s19  }
0x32: {  	[tilespmem:s14], [sflag:$0x1] =	stream.indirect.gather [hbm4b:s4+s13], $0x80, s20, s13, $0xb8;
	[tilespmem:$0x1D800] =	vst v63  }
0x33: {  	p0 =	sne.s32 s19, $0x9C00;
	_ =	swait.ge [sflag:s15], $0x4000  }
.Ltmp2:
0x34: {  	[sflag:s15] =	ssyncset.done $0x0;
	(pc) =	sbr.rel @p0 .LBB2_6-.Ltmp2, $4  }
0x35: {  	s19 =	sadd.s32 $0x2800, s20;
	[sflag:s15] =	ssyncadd.s32 $0xFFFFC000  }
0x36: {  	[spmem:s2] =	stream.indirect.scatter.add.f32 [tilespmem:s14], [sflag:$0x2], $0x80, s19, s13, $0xb8;
	[tilespmem:$0x1D800] =	vst v63  }
0x37: {  	_ =	swait.ge [sflag:s11], $0x4000  }
0x38: {  	s19 =	smov.u32 s21;
	[sflag:s11] =	ssyncset.done $0x0  }
0x39: {  	s18 =	sshra.s32 s18, $0x2;
	[sflag:s11] =	ssyncadd.s32 $0xFFFFC000  }
0x3a: {  	[tilespmem:s14], [sflag:$0x1] =	stream.indirect.gather [hbm4b:s4+s13], $0x80, s18, s13, $0xb8;
	[tilespmem:$0x1D800] =	vst v63  }
0x3b: {  	_ =	swait.ge [sflag:s15], $0x4000  }
0x3c: {  	[sflag:s15] =	ssyncset.done $0x0  }
0x3d: {  	s18 =	sadd.s32 $0x2800, s18;
	[sflag:s15] =	ssyncadd.s32 $0xFFFFC000  }
0x3e: {  	[spmem:s2] =	stream.indirect.scatter.add.f32 [tilespmem:s14], [sflag:$0x2], $0x80, s18, s13, $0xb8;
	[tilespmem:$0x1D800] =	vst v63  }
0x3f: {  	_ =	swait.ge [sflag:s11], $0x4000  }
0x40: {  	s3 =	sadd.s32 $0x1, s3;
	[sflag:s11] =	ssyncset.done $0x0  }
0x41: {  	p0 =	sne.s32 s3, s9;
	[sflag:s11] =	ssyncadd.s32 $0xFFFFC000  }
.Ltmp3:
0x42: {  	[bflag:$0x0] =	sbarrier.arrive $0xFFFF;
	(pc) =	sbr.rel @p0 .LBB2_1-.Ltmp3, $4  }
0x43: {  	[hbm:s8], [sflag:s16] =	dma.local [spmem:s17], $0x2800  }
0x44: {  	_ =	swait.ge [sflag:s11], $0x2800  }
0x45: {  	[sflag:s11] =	ssyncset.done $0x0  }
0x46: {  	[sflag:s11] =	ssyncadd.s32 $0xFFFFD800  }
0x47: {  	_ =	sfence.sel $0x180000  }
0x48: {  	[bflag:$0x0] =	sbarrier.arrive $0xFFFF  }
0x49: {  	p0 =	sne.s32 s1, $0x0;
	_ =	strace $0x9000004D  }
0x4a: {  	s0 =	sadd.s32 @!p0 $0x100000, s0;
	[bflag:$0x2] =	sbarrier.arrive $0xFFFF  }
0x4b: {  	[sflag:s0] =	ssyncadd.tile.s32 @!p0 $0x1;
	_ =	shalt  }
.Lfunc_end2:
_tile_overlayer_lowered:
.L_overlay_start_2:
0x4c: {  	(tag) =	ssettag $0x2  }
0x4d: {  	s0 =	rddreg [dreg:$0x0];
	s2 =	stileid.u32  }
0x4e: {  	s1 =	rddreg [dreg:$0x1];
	p0 =	sne.s32 s2, $0x0  }
0x4f: {  	s3 =	rddreg [dreg:$0x2];
	[bflag:$0x3] =	sbarrier.arrive $0xFFFF;
	s2 =	simm.s32 @!p0 $0x1C02  }
0x50: {  	[timem:s3], [sflag:s2] =	dma.local @!p0 [hbm:s0], s1  }
0x51: {  	s0 =	simm.s32 @!p0 $0x2  }
0x52: {  	_ =	swait.ge @!p0 [sflag:s0], s1  }
0x53: {  	s1 =	ssub.s32 @!p0 $0x0, s1;
	[sflag:s0] =	ssyncset.done @!p0 $0x0  }
0x54: {  	[sflag:s0] =	ssyncadd.s32 @!p0 s1  }
0x55: {  	[bflag:$0x3] =	sbarrier.arrive $0xFFFF  }
0x56: {  	_ =	shalt  }

// kernel: kernel.8.cloned.1.call-start
scs
__scs_entry_jumppad:
0x0: {  	(pc) =	sbr.rel $0x88, $3  }
0x1: {  	(tag) =	ssettag $0x0;
	lr =	simm.s32 $0x1  }
0x2: {  	[smem:$0x3F98] =	sst lr;
	_ =	strace $0xD0000000  }
0x3: {  	_ = 	snop  }
0x4: {  	_ = 	snop  }
0x5: {  	_ = 	snop  }
0x6: {  	_ = 	snop  }
0x7: {  	_ = 	snop  }
__scs_overlays_trampoline_lowered:
0x8: {  	[smem:$0x3FA7] =	sst s0  }
0x9: {  	[smem:$0x3FA8] =	sst s1  }
0xa: {  	[smem:$0x3FA9] =	sst s2  }
0xb: {  	[smem:$0x3FAA] =	sst s3  }
0xc: {  	[smem:$0x3FAB] =	sst s4  }
0xd: {  	[smem:$0x3FAC] =	sst s5  }
0xe: {  	[smem:$0x3FAD] =	sst s6  }
0xf: {  	[smem:$0x3FAE] =	sst s7  }
0x10: {  	[smem:$0x3FAF] =	sst s8  }
0x11: {  	[smem:$0x3FB0] =	sst s9;
	s0 =	simm.s32 @!p0 $0x0  }
0x12: {  	s1 =	sld [smem:$0x3F96];
	s0 =	simm.s32 @p0 $0x1  }
0x13: {  	[smem:$0x3FB1] =	sst s0;
	s0 =	simm.s32 @!p1 $0x0  }
0x14: {  	s2 =	sld [smem:$0x3F95];
	s0 =	simm.s32 @p1 $0x1  }
0x15: {  	[smem:$0x3FB2] =	sst s0;
	s0 =	simm.s32 @!p2 $0x0  }
0x16: {  	s3 =	sld [smem:$0x3FDB];
	s0 =	simm.s32 @p2 $0x1  }
0x17: {  	s4 =	simm.s32 $0x1BF5;
	[smem:$0x3FB4] =	sst s0  }
0x18: {  	s0 =	sld [smem:$0x3F97];
	_ =	swait.ge [sflag:s4], $0x0  }
0x19: {  	s7 =	sld [smem:$0x3F98]  }
0x1a: {  	s8 =	sadd.s32 $0xFFFFE003, lr  }
0x1b: {  	s9 =	sadd.s32 $0xFFFFFEF7, lr;
	s5 =	simm.s32 $0xFFFFFFFF;
	p2 =	slt.u32 s8, $0xFFFFF086  }
0x1c: {  	p1 =	slt.u32 s9, $0xF7A;
	s5 =	simm.s32 @!p2 $0x0  }
0x1d: {  	s5 =	simm.s32 @p1 $0x1;
	p0 =	seq.s32 s7, s2  }
0x1e: {  	s7 =	smul.u32 @!p0 $0xF7A, s2;
	p2 =	seq.s32 @!p0 s5, $0x0  }
0x1f: {  	s9 =	smul.u32 $0xF7A, s1;
	s8 =	simm.s32 @!p0 $0x1BF5;
	p2 =	por !p2, p0  }
0x20: {  	[sflag:s8] =	ssyncset.s32 @!p0 $0xFFFFF086;
	s6 =	sadd.s32 @!p0 s3, s7;
	s7 =	simm.s32 @!p0 $0x108  }
0x21: {  	s3 =	sadd.s32 s3, s9;
	s6 =	sadd.s32 @!p0 $0x88, s6;
	s7 =	simm.s32 @p2 $0x1082  }
0x22: {  	[simem:s7], [sflag:s8] =	dma.local @!p0 [hbm:s6], $0xF7A  }
0x23: {  	s9 =	sor.u32 $0xD0000000, s2;
	s6 =	simm.s32 $0x108;
	_ =	swait.ge @!p0 [sflag:s8], $0x0  }
0x24: {  	s3 =	sadd.s32 $0x88, s3;
	s6 =	simm.s32 @!p1 $0x1082;
	[sflag:s4] =	ssyncset.s32 $0xFFFFF086  }
0x25: {  	[simem:s6], [sflag:s4] =	dma.local [hbm:s3], $0xF7A  }
0x26: {  	[smem:$0x3F98] =	sst s1;
	(tag) =	ssettag s2;
	_ =	strace s9  }
0x27: {  	s1 =	sld [smem:$0x3FA8]  }
0x28: {  	s2 =	sld [smem:$0x3FA9]  }
0x29: {  	s4 =	sld [smem:$0x3FAB]  }
0x2a: {  	p0 =	seq.s32 s5, $0x0;
	s5 =	sld [smem:$0x3FAC]  }
0x2b: {  	s6 =	sld [smem:$0x3FAD]  }
0x2c: {  	s7 =	sld [smem:$0x3FAE]  }
0x2d: {  	s3 =	simm.s32 $0x108;
	s8 =	sld [smem:$0x3FAF]  }
0x2e: {  	s3 =	simm.s32 @!p0 $0x1082;
	s9 =	sld [smem:$0x3FB0]  }
0x2f: {  	lr =	sadd.s32 s0, s3;
	s0 =	sld [smem:$0x3FA7]  }
0x30: {  	s3 =	sld [smem:$0x3FAA]  }
0x31: {  	[smem:$0x3FB3] =	sst s10  }
0x32: {  	s10 =	sld [smem:$0x3FB1];
	_ =	sdelay $0x3  }
0x33: {  	p0 =	seq.s32 s10, $0x1;
	s10 =	sld [smem:$0x3FB3];
	_ =	sdelay $0x3  }
0x34: {  	[smem:$0x3FB3] =	sst s10  }
0x35: {  	s10 =	sld [smem:$0x3FB2];
	_ =	sdelay $0x3  }
0x36: {  	p1 =	seq.s32 s10, $0x1;
	s10 =	sld [smem:$0x3FB3];
	_ =	sdelay $0x3  }
0x37: {  	[smem:$0x3FB3] =	sst s10  }
0x38: {  	s10 =	sld [smem:$0x3FB4]  }
0x39: {  	_ = 	snop;
	(pc) =	sbr.ind lr, $3  }
0x3a: {  	_ = 	snop  }
0x3b: {  	_ = 	snop  }
0x3c: {  	p2 =	seq.s32 s10, $0x1;
	s10 =	sld [smem:$0x3FB3]  }
0x3d: {  	_ =	shalt  }
0x3e: {  	_ =	shalt  }
0x3f: {  	_ =	shalt  }
0x40: {  	_ =	shalt  }
0x41: {  	_ =	shalt  }
0x42: {  	_ =	shalt  }
0x43: {  	_ =	shalt  }
0x44: {  	_ =	shalt  }
0x45: {  	_ =	shalt  }
0x46: {  	_ =	shalt  }
0x47: {  	_ =	shalt  }
0x48: {  	_ =	shalt  }
0x49: {  	_ =	shalt  }
0x4a: {  	_ =	shalt  }
0x4b: {  	_ =	shalt  }
0x4c: {  	_ =	shalt  }
0x4d: {  	_ =	shalt  }
0x4e: {  	_ =	shalt  }
0x4f: {  	_ =	shalt  }
0x50: {  	_ =	shalt  }
0x51: {  	_ =	shalt  }
0x52: {  	_ =	shalt  }
0x53: {  	_ =	shalt  }
0x54: {  	_ =	shalt  }
0x55: {  	_ =	shalt  }
0x56: {  	_ =	shalt  }
0x57: {  	_ =	shalt  }
0x58: {  	_ =	shalt  }
0x59: {  	_ =	shalt  }
0x5a: {  	_ =	shalt  }
0x5b: {  	_ =	shalt  }
0x5c: {  	_ =	shalt  }
0x5d: {  	_ =	shalt  }
0x5e: {  	_ =	shalt  }
0x5f: {  	_ =	shalt  }
0x60: {  	_ =	shalt  }
0x61: {  	_ =	shalt  }
0x62: {  	_ =	shalt  }
0x63: {  	_ =	shalt  }
0x64: {  	_ =	shalt  }
0x65: {  	_ =	shalt  }
0x66: {  	_ =	shalt  }
0x67: {  	_ =	shalt  }
0x68: {  	_ =	shalt  }
0x69: {  	_ =	shalt  }
0x6a: {  	_ =	shalt  }
0x6b: {  	_ =	shalt  }
0x6c: {  	_ =	shalt  }
0x6d: {  	_ =	shalt  }
0x6e: {  	_ =	shalt  }
0x6f: {  	_ =	shalt  }
0x70: {  	_ =	shalt  }
0x71: {  	_ =	shalt  }
0x72: {  	_ =	shalt  }
0x73: {  	_ =	shalt  }
0x74: {  	_ =	shalt  }
0x75: {  	_ =	shalt  }
0x76: {  	_ =	shalt  }
0x77: {  	_ =	shalt  }
0x78: {  	_ =	shalt  }
0x79: {  	_ =	shalt  }
0x7a: {  	_ =	shalt  }
0x7b: {  	_ =	shalt  }
0x7c: {  	_ =	shalt  }
0x7d: {  	_ =	shalt  }
0x7e: {  	_ =	shalt  }
0x7f: {  	_ =	shalt  }
0x80: {  	_ =	shalt  }
0x81: {  	_ =	shalt  }
0x82: {  	_ =	shalt  }
0x83: {  	_ =	shalt  }
0x84: {  	_ =	shalt  }
0x85: {  	_ =	shalt  }
0x86: {  	_ =	shalt  }
0x87: {  	_ =	shalt  }
.Lfunc_end0:
.L_simem_size_0:
called_computation_lowered:
.L_overlay_start_0:
0x88: {  	s2 =	sld [smem:$0x3FD9]  }
0x89: {  	s3 =	sld [smem:$0x3FFE];
	_ =	sdelay $0x1  }
0x8a: {  	s1 =	srdreg.scid  }
0x8b: {  	s0 =	sand.u32 $0x1, s1  }
0x8c: {  	s16 =	sshll.u32 s0, $0xA;
	s2 =	sadd.s32 s3, s2  }
0x8d: {  	s2 =	sadd.s32 s2, s16  }
0x8e: {  	[smem:$0x3FBF] =	sst s2  }
0x8f: {  	_ = 	snop  }
0x90: {  	(tm) =	ssettm $0x1  }
0x91: {  	s17 =	sld [smem:$0x3FFB];
	_ =	sdelay $0x3  }
0x92: {  	_ =	strace s17  }
0x93: {  	s2 =	sld [smem:$0x3FFC];
	_ =	sdelay $0x3  }
0x94: {  	_ =	strace s2  }
0x95: {  	s2 =	sld [smem:$0x3FFD];
	_ =	sdelay $0x3  }
0x96: {  	_ =	strace s2  }
0x97: {  	_ =	strace $0x8FFFFFFF  }
0x98: {  	s18 =	sld [smem:$0x3FDB];
	_ =	sdelay $0x1  }
0x99: {  	s19 =	simm.s32 $_scs_section_size  }
0x9a: {  	s4 =	simm.s32 $_size__tile_overlayer_lowered;
	s5 =	simm.s32 $_tile_overlayer_lowered  }
0x9b: {  	s22 =	simm.s32 $0x1BFF;
	s21 =	sshll.u32 s5, $0x1;
	s2 =	sadd.s32 s19, s18  }
0x9c: {  	s6 =	simm.s32 $0x0;
	s20 =	sshll.u32 s4, $0x1;
	s4 =	sadd.s32 s21, s2  }
0x9d: {  	[timem:s6], [sflag:s22] =	dma.local [hbm:s4], s20  }
0x9e: {  	_ =	swait.ge [sflag:s22], s20  }
0x9f: {  	s3 =	ssub.s32 $0x0, s20;
	[sflag:s22] =	ssyncset.done $0x0  }
0xa0: {  	[sflag:s22] =	ssyncadd.s32 s3;
	_ =	sdelay $0x1  }
0xa1: {  	s23 =	simm.s32 $0x1B8B  }
0xa2: {  	_ =	swait.ge [sflag:s23], $0x1  }
0xa3: {  	[sflag:s23] =	ssyncset.done $0x0  }
0xa4: {  	s25 =	simm.s32 $0x1B8E;
	s24 =	sld [smem:$0x3FFE];
	[sflag:s23] =	ssyncadd.s32 $0xFFFFFFFF  }
0xa5: {  	s26 =	simm.s32 $execute0_lowered;
	[smem:$0x3FD2] =	sst s25  }
0xa6: {  	s4 =	sshll.u32 s26, $0x1;
	_ =	strace $0x80000046;
	[dreg:$0x1] =	wrdreg $0xFFFFFFFF  }
0xa7: {  	s28 =	simm.s32 $_size_execute0_lowered;
	s2 =	sadd.s32 s2, s4;
	[dreg:$0x0] =	wrdreg $0x0  }
0xa8: {  	s4 =	sshll.u32 s28, $0x1;
	[dreg:$0x2] =	wrdreg s2  }
0xa9: {  	[dreg:$0x3] =	wrdreg s4  }
0xaa: {  	[dreg:$0x4] =	wrdreg $0xC0  }
0xab: {  	_ =	task [dreg:s6], $0x5FFFF  }
0xac: {  	[dreg:$0x1] =	wrdreg $0xFFFFFFFF  }
0xad: {  	[dreg:$0x0] =	wrdreg $0x60  }
0xae: {  	[dreg:$0x2] =	wrdreg s24  }
0xaf: {  	[dreg:$0x3] =	wrdreg $0x70000  }
0xb0: {  	[dreg:$0x4] =	wrdreg $0x9  }
0xb1: {  	_ =	task.clear_ibuf [dreg:s6], $0x5FFFF;
	_ =	strace $0x90000046  }
0xb2: {  	s29 =	simm.s32 $0x9;
	_ =	strace $0x80000048  }
0xb3: {  	_ =	swait.ge [sflag:s29], $0x1  }
0xb4: {  	[sflag:s29] =	ssyncadd.s32 $0xFFFFFFFF  }
0xb5: {  	_ =	strace $0x90000048  }
0xb6: {  	_ =	sfence  }
0xb7: {  	s30 =	sld [smem:$0x0];
	_ =	sdelay $0x2  }
0xb8: {  	s31 =	sshll.u32 s1, $0xD;
	s1 =	sshrl.u32 s1, $0x2  }
0xb9: {  	s3 =	sand.u32 $0x4000, s31;
	s1 =	sadd.s32 s1, s30  }
0xba: {  	s0 =	sor.u32 s3, s0;
	s1 =	sshll.u32 s1, $0x11  }
0xbb: {  	s0 =	sor.u32 s1, s0  }
0xbc: {  	s0 =	sadd.s32 $0x8F2B, s0  }
0xbd: {  	[sflag:s0] =	ssyncadd.remote.s32 $0x1  }
0xbe: {  	_ =	sfence.sel $0xFFFF  }
0xbf: {  	[dreg:$0x0] =	wrdreg $0xFFFFFFFF;
	(pc) =	sbr.abs _section_cstart, $3  }
0xc0: {  	[dreg:$0x1] =	wrdreg $0xFFFFFFFF  }
0xc1: {  	_ =	task.clear_ibuf [dreg:s6], $0x2FFFF;
	_ =	strace $0x9FFFFFFF  }
0xc2: {  	(tm) =	ssettm $0x7FFFFFFF  }
0xc3: {  	_ =	shalt  }
tec
execute0_lowered:
.L_overlay_start_1:
0x0: {  	(tag) =	ssettag $0x1  }
0x1: {  	s4 =	rddreg [dreg:$0x0];
	s0 =	srdreg.scid  }
0x2: {  	s2 =	rddreg [dreg:$0x1];
	s1 =	stileid.u32  }
0x3: {  	s3 =	simm.s32 $0x0;
	s10 =	simm.s32 $0x80;
	s11 =	simm.s32 $0x2800  }
0x4: {  	s5 =	sand.u32 $0x1, s0;
	s0 =	rddreg [dreg:$0x2];
	s8 =	smul.u32 $0x14000, s1  }
0x5: {  	s6 =	sshll.u32 s1, $0x1;
	[smem:$0x7FF] =	sst s3;
	s30 =	smul.u32 $0x50000, s1  }
0x6: {  	s12 =	sshll.u32 s1, $0x6;
	s7 =	smul.u32 $0x140000, s5;
	s6 =	sor.u32 s5, s6  }
0x7: {  	_ =	strace $0x80000047;
	s5 =	ssub.s32 $0x2, s5;
	s12 =	sor.u32 $0x1C01, s12  }
0x8: {  	s6 =	smul.u32 $0x500, s6;
	s31 =	sshrl.u32 s5, $0x1;
	s7 =	sadd.s32 s8, s7  }
0x9: {  	s8 =	sshrl.u32 s30, $0x2;
	s9 =	ssub.s32 s5, s31;
	s7 =	sshrl.u32 s7, $0x3  }
0xa: {  	s6 =	sadd.s32 s6, s4;
	s7 =	sadd.s32 s7, s4;
	s4 =	sadd.s32 s8, s2  }
0xb: {  	s5 =	sadd.s32 $0x3A00, s6;
	s8 =	simm.s32 $0x6800;
	s6 =	sadd.s32 $0xDA00, s7  }
0xc: {  	v0 =	vimm.f32 $1.000000000e+00;
	v1 =	vimm.f32 $0.0e+00;
	s7 =	smax.u32 s9, $0x1;
	s9 =	simm.s32 $0x1;
	s13 =	sshrl.u32 s4, $0x3  }
.LBB2_1:
0xd: {  	s14 =	simm.s32 $0x200;
	s15 =	simm.s32 $0x0  }
.LBB2_2:
0xe: {  	p0 =	sne.s32 s14, $0xFE00;
	[tilespmem:s15+$0x2800] =	vst v0;
	s15 =	smov.u32 s14;
	s14 =	sadd.s32 $0x200, s14  }
.Ltmp0:
0xf: {  	(pc) =	sbr.rel @p0 .LBB2_2-.Ltmp0, $2  }
0x10: {  	_ =	sdelay $0x2  }
0x11: {  	s15 =	sshra.s32 s15, $0x2  }
0x12: {  	[tilespmem:s15+$0x2800] =	vst v0  }
0x13: {  	[tilespmem:$0x6800] =	vst v1  }
0x14: {  	[tilespmem:$0x6880] =	vst v1  }
0x15: {  	[tilespmem:$0x6900] =	vst v1  }
0x16: {  	[tilespmem:$0x6980] =	vst v1  }
0x17: {  	[tilespmem:$0x6A00] =	vst v1  }
0x18: {  	[tilespmem:$0x6A80] =	vst v1  }
0x19: {  	[tilespmem:$0x6B00] =	vst v1  }
0x1a: {  	[tilespmem:$0x6B80] =	vst v1  }
0x1b: {  	[tilespmem:$0x6C00] =	vst v1  }
0x1c: {  	[tilespmem:$0x6C80] =	vst v1  }
0x1d: {  	[tilespmem:$0x6D00] =	vst v1  }
0x1e: {  	[tilespmem:$0x6D80] =	vst v1  }
0x1f: {  	[tilespmem:$0x6E00] =	vst v1  }
0x20: {  	[tilespmem:$0x6E80] =	vst v1  }
0x21: {  	[tilespmem:$0x6F00] =	vst v1  }
0x22: {  	s14 =	sadd.s32 $0x0, s4;
	[tilespmem:$0x6F80] =	vst v1  }
0x23: {  	[spmem:s14] =	stream.linear.scatter [tilespmem:s8], [sflag:$0x1], $0x800, $0x38;
	[tilespmem:$0x9800] =	vst v63  }
0x24: {  	s14 =	simm.s32 $0x2000;
	_ =	swait.ge [sflag:s9], $0x800  }
.LBB2_4:
0x25: {  	s15 =	sshra.s32 s14, $0x2;
	[sflag:s9] =	ssyncset.done $0x0;
	p0 =	sne.s32 s14, $0x4E000  }
.Ltmp1:
0x26: {  	s15 =	sadd.s32 s15, s4;
	[sflag:s9] =	ssyncadd.s32 $0xFFFFF800;
	(pc) =	sbr.rel @p0 .LBB2_4-.Ltmp1, $3  }
0x27: {  	[spmem:s15] =	stream.linear.scatter [tilespmem:s8], [sflag:$0x1], $0x800, $0x38;
	[tilespmem:$0x9800] =	vst v63  }
0x28: {  	s14 =	sadd.s32 $0x2000, s14;
	_ =	sdelay $0x1  }
0x29: {  	_ =	swait.ge [sflag:s9], $0x800  }
0x2a: {  	[sflag:s9] =	ssyncset.done $0x0  }
0x2b: {  	s14 =	simm.s32 $0x0;
	[sflag:s9] =	ssyncadd.s32 $0xFFFFF800  }
0x2c: {  	[tilespmem:s14], [sflag:$0x1] =	stream.linear.gather [hbm4b:s5+s14], $0x2780, $0x38;
	[tilespmem:$0x9800] =	vst v63  }
0x2d: {  	_ =	swait.ge [sflag:s9], $0x2780  }
0x2e: {  	[sflag:s9] =	ssyncset.done $0x0  }
0x2f: {  	[sflag:s9] =	ssyncadd.s32 $0xFFFFD880  }
0x30: {  	s31 =	simm.s32 $0x0;
	[bflag:$0x0] =	sbarrier.arrive $0xFFFF  }
0x31: {  	[spmem:s2] =	stream.indirect.scatter.add.f32 [tilespmem:s11], [sflag:$0x1], $0x10, s31, s10, $0xb8;
	[tilespmem:$0x9800] =	vst v63  }
0x32: {  	_ =	swait.ge [sflag:s9], $0x800  }
0x33: {  	s14 =	simm.s32 $0x200;
	[sflag:s9] =	ssyncset.done $0x0  }
.LBB2_6:
0x34: {  	s15 =	sshra.s32 s14, $0x2;
	[sflag:s9] =	ssyncadd.s32 $0xFFFFF800;
	p0 =	sne.s32 s14, $0x9C00  }
0x35: {  	[spmem:s2] =	stream.indirect.scatter.add.f32 [tilespmem:s11], [sflag:$0x1], $0x10, s15, s10, $0xb8;
	[tilespmem:$0x9800] =	vst v63  }
.Ltmp2:
0x36: {  	_ = 	snop;
	(pc) =	sbr.rel @p0 .LBB2_6-.Ltmp2, $4  }
0x37: {  	_ = 	snop  }
0x38: {  	s14 =	sadd.s32 $0x200, s14  }
0x39: {  	_ =	swait.ge [sflag:s9], $0x800  }
0x3a: {  	[sflag:s9] =	ssyncset.done $0x0  }
0x3b: {  	s3 =	sadd.s32 $0x1, s3  }
0x3c: {  	[sflag:s9] =	ssyncadd.s32 $0xFFFFF800;
	p0 =	sne.s32 s3, s7  }
.Ltmp3:
0x3d: {  	[bflag:$0x0] =	sbarrier.arrive $0xFFFF;
	(pc) =	sbr.rel @p0 .LBB2_1-.Ltmp3, $4  }
0x3e: {  	[hbm:s6], [sflag:s12] =	dma.local [spmem:s13], $0x2800  }
0x3f: {  	_ =	swait.ge [sflag:s9], $0x2800  }
0x40: {  	[sflag:s9] =	ssyncset.done $0x0  }
0x41: {  	[sflag:s9] =	ssyncadd.s32 $0xFFFFD800  }
0x42: {  	_ =	sfence.sel $0x180000  }
0x43: {  	[bflag:$0x0] =	sbarrier.arrive $0xFFFF  }
0x44: {  	p0 =	sne.s32 s1, $0x0;
	_ =	strace $0x90000047  }
0x45: {  	s0 =	sadd.s32 @!p0 $0x100000, s0;
	[bflag:$0x2] =	sbarrier.arrive $0xFFFF  }
0x46: {  	[sflag:s0] =	ssyncadd.tile.s32 @!p0 $0x1;
	_ =	shalt  }
.Lfunc_end2:
_tile_overlayer_lowered:
.L_overlay_start_2:
0x47: {  	(tag) =	ssettag $0x2  }
0x48: {  	s0 =	rddreg [dreg:$0x0];
	s2 =	stileid.u32  }
0x49: {  	s1 =	rddreg [dreg:$0x1];
	p0 =	sne.s32 s2, $0x0  }
0x4a: {  	s3 =	rddreg [dreg:$0x2];
	[bflag:$0x3] =	sbarrier.arrive $0xFFFF;
	s2 =	simm.s32 @!p0 $0x1C01  }
0x4b: {  	[timem:s3], [sflag:s2] =	dma.local @!p0 [hbm:s0], s1  }
0x4c: {  	s0 =	simm.s32 @!p0 $0x1  }
0x4d: {  	_ =	swait.ge @!p0 [sflag:s0], s1  }
0x4e: {  	s1 =	ssub.s32 @!p0 $0x0, s1;
	[sflag:s0] =	ssyncset.done @!p0 $0x0  }
0x4f: {  	[sflag:s0] =	ssyncadd.s32 @!p0 s1  }
0x50: {  	[bflag:$0x3] =	sbarrier.arrive $0xFFFF  }
0x51: {  	_ =	shalt  }

</sc_bundles>
